<compile_context>
chip_gen: v7x
topology: tpu7x:2x2x1
jax: 0.10.2.dev20260603
libtpu: 0.0.44.dev20260713+nightly
codegen_flags: <defaults>
</compile_context>

<pallas_src>
import functools

import jax
import jax.numpy as jnp
from jax import lax
from jax.experimental import pallas as pl
from jax.experimental.pallas import tpu as pltpu
from jax.experimental.pallas import tpu_sc as plsc

B, N, M = 16, 1024, 256
C1, C2 = 256, 256
OUT0, OUT1 = 256, 256
NROWS = B * N
Q = B * N
NW = 32
QPW = Q // NW
CH = 64
NCH = QPW // CH
ROWBLK = 2048
EPS_BN = 1e-5
EPS_D = 1e-8


def _k1a_body(x1t_ref, x2p_ref, gidx_ref, w_ref):
    b = pl.program_id(0)
    x1t = x1t_ref[0]
    x2p = x2p_ref[0]
    x1sq = jnp.sum(x1t * x1t, axis=0, keepdims=True)
    x2sq = jnp.sum(x2p * x2p, axis=1, keepdims=True)
    cross = jax.lax.dot_general(
        x2p, x1t, (((1,), (0,)), ((), ())),
        preferred_element_type=jnp.float32,
        precision=jax.lax.Precision.DEFAULT)
    d2 = jnp.maximum(x2sq + x1sq - 2.0 * cross, 0.0)

    big = jnp.float32(3.4e38)
    iota_f = jax.lax.broadcasted_iota(jnp.int32, (M, N), 0).astype(jnp.float32)
    sels, rs = [], []
    recip_sum = jnp.zeros((1, N), jnp.float32)
    for _ in range(3):
        mval = jnp.min(d2, axis=0, keepdims=True)
        sel = jnp.min(jnp.where(d2 == mval, iota_f, big),
                      axis=0, keepdims=True)
        hit = iota_f == sel
        r = 1.0 / (mval + EPS_D)
        recip_sum = recip_sum + r
        sels.append(sel)
        rs.append(r)
        d2 = jnp.where(hit, big, d2)
    inv_norm = 1.0 / recip_sum
    base = jnp.float32(b * M)
    gidx_ref[0] = jnp.concatenate(
        [s + base for s in sels], axis=0).astype(jnp.int32)
    w_ref[0] = jnp.concatenate([r * inv_norm for r in rs], axis=0)


def _sc_body(p2_hbm, gidx_hbm, w_hbm, out_hbm, idx_v, w_v, rows_v, out_v, sem):
    b = lax.axis_index("s")
    half = lax.axis_index("c")

    nb0 = half * QPW
    pltpu.sync_copy(gidx_hbm.at[b, :, pl.ds(nb0, QPW)], idx_v)
    pltpu.sync_copy(w_hbm.at[b, :, pl.ds(nb0, QPW)], w_v)

    def chunk(c, carry):
        coff = c * CH
        cps = [pltpu.async_copy(p2_hbm.at[idx_v.at[k, pl.ds(coff, CH)]],
                                rows_v.at[k], sem)
               for k in range(3)]
        for cp in cps:
            cp.wait()

        def per_g(g, carry2):
            wvs = [w_v[k, pl.ds(coff + g * 16, 16)] for k in range(3)]

            def per_q(q16, carry3):
                zq = jnp.zeros((16,), jnp.int32) + q16
                wk = [wv.at[zq].get(mode="promise_in_bounds") for wv in wvs]
                q = g * 16 + q16
                for j in range(16):
                    sl = pl.ds(j * 16, 16)
                    acc = (wk[0] * rows_v[0, q, sl]
                           + wk[1] * rows_v[1, q, sl]
                           + wk[2] * rows_v[2, q, sl])
                    out_v[q, sl] = acc
                return carry3

            lax.fori_loop(0, 16, per_q, 0)
            return carry2

        lax.fori_loop(0, CH // 16, per_g, 0)
        pltpu.sync_copy(out_v, out_hbm.at[pl.ds(b * N + nb0 + coff, CH), :])
        return carry

    lax.fori_loop(0, NCH, chunk, 0)


def _sc_interp(p2flat, gidx, w):
    mesh = plsc.VectorSubcoreMesh(core_axis_name="c", subcore_axis_name="s")
    f = functools.partial(
        pl.kernel,
        mesh=mesh,
        out_type=jax.ShapeDtypeStruct((Q, C2), jnp.float32),
        scratch_types=[
            pltpu.VMEM((3, QPW), jnp.int32),
            pltpu.VMEM((3, QPW), jnp.float32),
            pltpu.VMEM((3, CH, C2), jnp.float32),
            pltpu.VMEM((CH, C2), jnp.float32),
            pltpu.SemaphoreType.DMA,
        ],
    )(_sc_body)
    return f(p2flat, gidx, w)


def _k1b_body(p1_ref, it_ref, w0at_ref, w0bt_ref, b0_ref, y0_ref, stats_ref):
    b = pl.program_id(0)
    y0 = (jax.lax.dot_general(p1_ref[0], w0at_ref[...],
                              (((1,), (0,)), ((), ())),
                              preferred_element_type=jnp.float32)
          + jax.lax.dot_general(it_ref[...], w0bt_ref[...],
                                (((1,), (0,)), ((), ())),
                                preferred_element_type=jnp.float32)
          + b0_ref[...])
    y0_ref[0] = y0

    @pl.when(b == 0)
    def _init():
        stats_ref[...] = jnp.zeros_like(stats_ref)

    stats_ref[...] += jnp.concatenate(
        [jnp.sum(y0, axis=0, keepdims=True),
         jnp.sum(y0 * y0, axis=0, keepdims=True)], axis=0)


def _k2_body(y0_ref, stats0_ref, w1t_ref, b1_ref, g0_ref, beta0_ref,
             y1_ref, stats1_ref):
    i = pl.program_id(0)
    inv_n = jnp.float32(1.0 / NROWS)
    mean = stats0_ref[0:1, :] * inv_n
    var = stats0_ref[1:2, :] * inv_n - mean * mean
    scale = g0_ref[...] * jax.lax.rsqrt(var + EPS_BN)
    shift = beta0_ref[...] - mean * scale
    h = jnp.maximum(y0_ref[...] * scale + shift, 0.0)
    y1 = jax.lax.dot_general(h, w1t_ref[...], (((1,), (0,)), ((), ())),
                             preferred_element_type=jnp.float32) + b1_ref[...]
    y1_ref[...] = y1

    @pl.when(i == 0)
    def _init():
        stats1_ref[...] = jnp.zeros_like(stats1_ref)

    stats1_ref[...] += jnp.concatenate(
        [jnp.sum(y1, axis=0, keepdims=True),
         jnp.sum(y1 * y1, axis=0, keepdims=True)], axis=0)


def _k3_body(y1_ref, stats1_ref, g1_ref, beta1_ref, out_ref):
    inv_n = jnp.float32(1.0 / NROWS)
    mean = stats1_ref[0:1, :] * inv_n
    var = stats1_ref[1:2, :] * inv_n - mean * mean
    scale = g1_ref[...] * jax.lax.rsqrt(var + EPS_BN)
    shift = beta1_ref[...] - mean * scale
    out_ref[...] = jnp.maximum(y1_ref[...] * scale + shift, 0.0)


def _topk_tc(x1t, x2p):
    return pl.pallas_call(
        _k1a_body,
        grid=(B,),
        in_specs=[
            pl.BlockSpec((1, 8, N), lambda b: (b, 0, 0)),
            pl.BlockSpec((1, M, 8), lambda b: (b, 0, 0)),
        ],
        out_specs=[
            pl.BlockSpec((1, 3, N), lambda b: (b, 0, 0)),
            pl.BlockSpec((1, 3, N), lambda b: (b, 0, 0)),
        ],
        out_shape=[
            jax.ShapeDtypeStruct((B, 3, N), jnp.int32),
            jax.ShapeDtypeStruct((B, 3, N), jnp.float32),
        ],
    )(x1t, x2p)


@jax.jit
def kernel(xyz1, xyz2, points1, points2, W0, b0, g0, beta0, W1, b1, g1, beta1):
    f32 = jnp.float32
    x1t = jnp.pad(xyz1, ((0, 0), (0, 0), (0, 5))).transpose(0, 2, 1)
    x2p = jnp.pad(xyz2, ((0, 0), (0, 0), (0, 5)))
    w0t = W0.T
    w0at, w0bt = w0t[:C1], w0t[C1:]
    w1t = W1.T
    row = lambda v: v.reshape(1, -1)

    gidx, w = _topk_tc(x1t, x2p)
    interp = _sc_interp(points2.reshape(B * M, C2), gidx, w)

    y0, stats0 = pl.pallas_call(
        _k1b_body,
        grid=(B,),
        in_specs=[
            pl.BlockSpec((1, N, C1), lambda b: (b, 0, 0)),
            pl.BlockSpec((N, C2), lambda b: (b, 0)),
            pl.BlockSpec((C1, OUT0), lambda b: (0, 0)),
            pl.BlockSpec((C2, OUT0), lambda b: (0, 0)),
            pl.BlockSpec((1, OUT0), lambda b: (0, 0)),
        ],
        out_specs=[
            pl.BlockSpec((1, N, OUT0), lambda b: (b, 0, 0)),
            pl.BlockSpec((2, OUT0), lambda b: (0, 0)),
        ],
        out_shape=[
            jax.ShapeDtypeStruct((B, N, OUT0), f32),
            jax.ShapeDtypeStruct((2, OUT0), f32),
        ],
    )(points1, interp, w0at, w0bt, row(b0))

    y0f = y0.reshape(NROWS, OUT0)
    nblk = NROWS // ROWBLK
    y1, stats1 = pl.pallas_call(
        _k2_body,
        grid=(nblk,),
        in_specs=[
            pl.BlockSpec((ROWBLK, OUT0), lambda i: (i, 0)),
            pl.BlockSpec((2, OUT0), lambda i: (0, 0)),
            pl.BlockSpec((OUT0, OUT1), lambda i: (0, 0)),
            pl.BlockSpec((1, OUT1), lambda i: (0, 0)),
            pl.BlockSpec((1, OUT0), lambda i: (0, 0)),
            pl.BlockSpec((1, OUT0), lambda i: (0, 0)),
        ],
        out_specs=[
            pl.BlockSpec((ROWBLK, OUT1), lambda i: (i, 0)),
            pl.BlockSpec((2, OUT1), lambda i: (0, 0)),
        ],
        out_shape=[
            jax.ShapeDtypeStruct((NROWS, OUT1), f32),
            jax.ShapeDtypeStruct((2, OUT1), f32),
        ],
    )(y0f, stats0, w1t, row(b1), row(g0), row(beta0))

    out = pl.pallas_call(
        _k3_body,
        grid=(nblk,),
        in_specs=[
            pl.BlockSpec((ROWBLK, OUT1), lambda i: (i, 0)),
            pl.BlockSpec((2, OUT1), lambda i: (0, 0)),
            pl.BlockSpec((1, OUT1), lambda i: (0, 0)),
            pl.BlockSpec((1, OUT1), lambda i: (0, 0)),
        ],
        out_specs=pl.BlockSpec((ROWBLK, OUT1), lambda i: (i, 0)),
        out_shape=jax.ShapeDtypeStruct((NROWS, OUT1), f32),
    )(y1, stats1, row(g1), row(beta1))

    return out.reshape(B, N, OUT1)

# --- scband reference (transcript-rebuilt; emitter-appended) ---
"""Pipeline reference for scband-point-net-feature-propagation-4080218931819 (READ-ONLY COPY).

The authoritative reference and input builder live on the scoring server;
editing this copy changes nothing except your own understanding.
"""

import jax, jax.numpy as jnp
import numpy as np

B, N, M = 16, 1024, 256
C1, C2 = 256, 256
MLP = [256, 256]
IN_CH = C1 + C2


def setup_inputs(seed: int = 0) -> dict:
    key = jax.random.key(seed)
    ks = jax.random.split(key, 8)
    inp = {
        "xyz1": jax.random.uniform(ks[0], (B, N, 3), dtype=jnp.float32),
        "xyz2": jax.random.uniform(ks[1], (B, M, 3), dtype=jnp.float32),
        "points1": jax.random.normal(ks[2], (B, N, C1), dtype=jnp.float32),
        "points2": jax.random.normal(ks[3], (B, M, C2), dtype=jnp.float32),
        "W0": jax.random.normal(ks[4], (MLP[0], IN_CH), dtype=jnp.float32) * 0.02,
        "b0": jnp.zeros((MLP[0],), jnp.float32),
        "g0": jnp.ones((MLP[0],), jnp.float32),
        "beta0": jnp.zeros((MLP[0],), jnp.float32),
        "W1": jax.random.normal(ks[5], (MLP[1], MLP[0]), dtype=jnp.float32) * 0.02,
        "b1": jnp.zeros((MLP[1],), jnp.float32),
        "g1": jnp.ones((MLP[1],), jnp.float32),
        "beta1": jnp.zeros((MLP[1],), jnp.float32),
    }
    return inp


def _bn_relu(x, g, b):
    # BatchNorm1d in training mode: stats over batch and spatial dims, per channel
    mean = jnp.mean(x, axis=(0, 1), keepdims=True)
    var = jnp.var(x, axis=(0, 1), keepdims=True)
    xn = (x - mean) / jnp.sqrt(var + 1e-5)
    return jax.nn.relu(xn * g + b)


def reference(xyz1, xyz2, points1, points2, W0, b0, g0, beta0, W1, b1, g1, beta1):
    # three_nn: squared distances from each of N dense points to M sparse points
    d2 = (jnp.sum(xyz1 ** 2, axis=-1)[:, :, None]
          + jnp.sum(xyz2 ** 2, axis=-1)[:, None, :]
          - 2.0 * jnp.einsum('bnd,bmd->bnm', xyz1, xyz2))
    d2 = jnp.maximum(d2, 0.0)
    neg_dist, idx = jax.lax.top_k(-d2, 3)  # 3 nearest neighbors
    dist = -neg_dist  # [B, N, 3]
    dist_recip = 1.0 / (dist + 1e-8)
    norm = jnp.sum(dist_recip, axis=2, keepdims=True)
    weight = dist_recip / norm  # [B, N, 3]
    # three_interpolate: gather neighbor features and weighted-sum
    gathered = points2[jnp.arange(B)[:, None, None], idx]  # [B, N, 3, C2]
    interpolated = jnp.sum(gathered * weight[..., None], axis=2)  # [B, N, C2]
    new_points = jnp.concatenate([points1, interpolated], axis=-1)  # [B, N, C1+C2]
    # pointwise MLP: Conv1d(k=1) == matmul over channel dim, then BN + ReLU
    x = _bn_relu(new_points @ W0.T + b0, g0, beta0)
    x = _bn_relu(x @ W1.T + b1, g1, beta1)
    return x  # [B, N, MLP[-1]]

if __name__ == "__main__":
    import jax
    _d = setup_inputs()
    print(jax.jit(kernel)(*tuple(_d.values())))

</pallas_src>

<mosaic_0001>
#map = affine_map<(d0, d1) -> (0, 0)>
#map1 = affine_map<(d0, d1) -> (0, 0, 0)>
module attributes {stable_mosaic.version = 14 : i64} {
  func.func @_sc_body(%arg0: i32, %arg1: i32, %arg2: memref<4096x256xf32, #tpu.memory_space<hbm>>, %arg3: memref<16x3x1024xi32, #tpu.memory_space<hbm>>, %arg4: memref<16x3x1024xf32, #tpu.memory_space<hbm>>, %arg5: memref<16384x256xf32, #tpu.memory_space<hbm>>, %arg6: memref<3x512xi32, #tpu.memory_space<vmem>>, %arg7: memref<3x512xf32, #tpu.memory_space<vmem>>, %arg8: memref<3x64x256xf32, #tpu.memory_space<vmem>>, %arg9: memref<64x256xf32, #tpu.memory_space<vmem>>, %arg10: memref<!tpu.dma_semaphore, #tpu.memory_space<semaphore_mem>>) attributes {dimension_semantics = [#tpu.dimension_semantics<core_parallel>, #tpu.dimension_semantics<subcore_parallel>], iteration_bounds = array<i64: 2, 16>, scalar_prefetch = 0 : i64, scratch_operands = 5 : i64, tpu.core_type = #tpu.core_type<sc_vector_subcore>, window_params = [{transform_indices = #map}, {transform_indices = #map1}, {transform_indices = #map1}, {transform_indices = #map}]} {
    %mul3A = arith.constant 512 : i32
    %mul3A_0 = arith.muli %arg0, %mul3A : i32
    "tpu.region"() ({
      %run_scoped3A = tpu.sem_alloc : memref<!tpu.dma_semaphore, #tpu.memory_space<semaphore_mem>>
      %dma_start3A = arith.constant 0 : i32
      %dma_start3A_6 = tpu.memref_slice %arg3[%arg1, %dma_start3A, %mul3A_0] : memref<16x3x1024xi32, #tpu.memory_space<hbm>> -> memref<1x3x512xi32, #tpu.memory_space<hbm>>
      %dma_start3A_7 = tpu.memref_squeeze %dma_start3A_6 : memref<1x3x512xi32, #tpu.memory_space<hbm>> -> memref<3x512xi32, #tpu.memory_space<hbm>>
      %dma_start3A_8 = arith.constant 0 : i32
      %dma_start3A_9 = tpu.memref_slice %arg3[%arg1, %dma_start3A_8, %mul3A_0] : memref<16x3x1024xi32, #tpu.memory_space<hbm>> -> memref<1x3x512xi32, #tpu.memory_space<hbm>>
      %dma_start3A_10 = tpu.memref_squeeze %dma_start3A_9 : memref<1x3x512xi32, #tpu.memory_space<hbm>> -> memref<3x512xi32, #tpu.memory_space<hbm>>
      tpu.enqueue_dma source(%dma_start3A_10 : memref<3x512xi32, #tpu.memory_space<hbm>>) target(%arg6 : memref<3x512xi32, #tpu.memory_space<vmem>>) target_semaphore(%run_scoped3A : memref<!tpu.dma_semaphore, #tpu.memory_space<semaphore_mem>>)
      %dma_wait3A = arith.constant 0 : i32
      %dma_wait3A_11 = tpu.memref_slice %arg3[%arg1, %dma_wait3A, %mul3A_0] : memref<16x3x1024xi32, #tpu.memory_space<hbm>> -> memref<1x3x512xi32, #tpu.memory_space<hbm>>
      %dma_wait3A_12 = tpu.memref_squeeze %dma_wait3A_11 : memref<1x3x512xi32, #tpu.memory_space<hbm>> -> memref<3x512xi32, #tpu.memory_space<hbm>>
      %dma_wait3A_13 = arith.constant 0 : i32
      %dma_wait3A_14 = tpu.memref_slice %arg3[%arg1, %dma_wait3A_13, %mul3A_0] : memref<16x3x1024xi32, #tpu.memory_space<hbm>> -> memref<1x3x512xi32, #tpu.memory_space<hbm>>
      %dma_wait3A_15 = tpu.memref_squeeze %dma_wait3A_14 : memref<1x3x512xi32, #tpu.memory_space<hbm>> -> memref<3x512xi32, #tpu.memory_space<hbm>>
      tpu.wait_dma2 semaphore(%run_scoped3A : memref<!tpu.dma_semaphore, #tpu.memory_space<semaphore_mem>>) src(%dma_wait3A_15 : memref<3x512xi32, #tpu.memory_space<hbm>>) dst(%arg6 : memref<3x512xi32, #tpu.memory_space<vmem>>)
      tpu.yield
    }) : () -> ()
    "tpu.region"() ({
      %run_scoped3A = tpu.sem_alloc : memref<!tpu.dma_semaphore, #tpu.memory_space<semaphore_mem>>
      %dma_start3A = arith.constant 0 : i32
      %dma_start3A_6 = tpu.memref_slice %arg4[%arg1, %dma_start3A, %mul3A_0] : memref<16x3x1024xf32, #tpu.memory_space<hbm>> -> memref<1x3x512xf32, #tpu.memory_space<hbm>>
      %dma_start3A_7 = tpu.memref_squeeze %dma_start3A_6 : memref<1x3x512xf32, #tpu.memory_space<hbm>> -> memref<3x512xf32, #tpu.memory_space<hbm>>
      %dma_start3A_8 = arith.constant 0 : i32
      %dma_start3A_9 = tpu.memref_slice %arg4[%arg1, %dma_start3A_8, %mul3A_0] : memref<16x3x1024xf32, #tpu.memory_space<hbm>> -> memref<1x3x512xf32, #tpu.memory_space<hbm>>
      %dma_start3A_10 = tpu.memref_squeeze %dma_start3A_9 : memref<1x3x512xf32, #tpu.memory_space<hbm>> -> memref<3x512xf32, #tpu.memory_space<hbm>>
      tpu.enqueue_dma source(%dma_start3A_10 : memref<3x512xf32, #tpu.memory_space<hbm>>) target(%arg7 : memref<3x512xf32, #tpu.memory_space<vmem>>) target_semaphore(%run_scoped3A : memref<!tpu.dma_semaphore, #tpu.memory_space<semaphore_mem>>)
      %dma_wait3A = arith.constant 0 : i32
      %dma_wait3A_11 = tpu.memref_slice %arg4[%arg1, %dma_wait3A, %mul3A_0] : memref<16x3x1024xf32, #tpu.memory_space<hbm>> -> memref<1x3x512xf32, #tpu.memory_space<hbm>>
      %dma_wait3A_12 = tpu.memref_squeeze %dma_wait3A_11 : memref<1x3x512xf32, #tpu.memory_space<hbm>> -> memref<3x512xf32, #tpu.memory_space<hbm>>
      %dma_wait3A_13 = arith.constant 0 : i32
      %dma_wait3A_14 = tpu.memref_slice %arg4[%arg1, %dma_wait3A_13, %mul3A_0] : memref<16x3x1024xf32, #tpu.memory_space<hbm>> -> memref<1x3x512xf32, #tpu.memory_space<hbm>>
      %dma_wait3A_15 = tpu.memref_squeeze %dma_wait3A_14 : memref<1x3x512xf32, #tpu.memory_space<hbm>> -> memref<3x512xf32, #tpu.memory_space<hbm>>
      tpu.wait_dma2 semaphore(%run_scoped3A : memref<!tpu.dma_semaphore, #tpu.memory_space<semaphore_mem>>) src(%dma_wait3A_15 : memref<3x512xf32, #tpu.memory_space<hbm>>) dst(%arg7 : memref<3x512xf32, #tpu.memory_space<vmem>>)
      tpu.yield
    }) : () -> ()
    %scan3A = arith.constant 0 : i32
    %scan3A_1 = arith.constant 0 : i32
    %scan3A_2 = arith.constant 8 : i32
    %scan3A_3 = arith.addi %scan3A_1, %scan3A_2 : i32
    %scan3A_4 = arith.constant 1 : i32
    scf.for %scan3A_6 = %scan3A_1 to %scan3A_3 step %scan3A_4  : i32 {
      %mul3A_7 = arith.constant 64 : i32
      %mul3A_8 = arith.muli %scan3A_6, %mul3A_7 : i32
      %dma_start3A = arith.constant 0 : i32
      %dma_start3A_9 = arith.constant 0 : i32
      %dma_start3A_10 = arith.constant 0 : i32
      %dma_start3A_11 = arith.constant 0 : i32
      %dma_start3A_12 = tpu.memref_slice %arg8[%dma_start3A_9, %dma_start3A_10, %dma_start3A_11] : memref<3x64x256xf32, #tpu.memory_space<vmem>> -> memref<1x64x256xf32, #tpu.memory_space<vmem>>
      %dma_start3A_13 = tpu.memref_squeeze %dma_start3A_12 : memref<1x64x256xf32, #tpu.memory_space<vmem>> -> memref<64x256xf32, #tpu.memory_space<vmem>>
      %dma_start3A_14 = tpu.memref_slice %arg6[%dma_start3A, %mul3A_8] : memref<3x512xi32, #tpu.memory_space<vmem>> -> memref<1x64xi32, #tpu.memory_space<vmem>>
      %dma_start3A_15 = tpu.memref_squeeze %dma_start3A_14 : memref<1x64xi32, #tpu.memory_space<vmem>> -> memref<64xi32, #tpu.memory_space<vmem>>
      %dma_start3A_16 = arith.constant 0 : i32
      %dma_start3A_17 = arith.constant 0 : i32
      %dma_start3A_18 = tpu.memref_slice %arg2[%dma_start3A_16, %dma_start3A_17] : memref<4096x256xf32, #tpu.memory_space<hbm>> -> memref<4096x256xf32, #tpu.memory_space<hbm>>
      tpu.enqueue_indirect_dma source(%dma_start3A_18 : memref<4096x256xf32, #tpu.memory_space<hbm>>) target(%dma_start3A_13 : memref<64x256xf32, #tpu.memory_space<vmem>>) offsets(%dma_start3A_15 : memref<64xi32, #tpu.memory_space<vmem>>) semaphore(%arg10 : memref<!tpu.dma_semaphore, #tpu.memory_space<semaphore_mem>>)
      %dma_start3A_19 = arith.constant 1 : i32
      %dma_start3A_20 = arith.constant 1 : i32
      %dma_start3A_21 = arith.constant 0 : i32
      %dma_start3A_22 = arith.constant 0 : i32
      %dma_start3A_23 = tpu.memref_slice %arg8[%dma_start3A_20, %dma_start3A_21, %dma_start3A_22] : memref<3x64x256xf32, #tpu.memory_space<vmem>> -> memref<1x64x256xf32, #tpu.memory_space<vmem>>
      %dma_start3A_24 = tpu.memref_squeeze %dma_start3A_23 : memref<1x64x256xf32, #tpu.memory_space<vmem>> -> memref<64x256xf32, #tpu.memory_space<vmem>>
      %dma_start3A_25 = tpu.memref_slice %arg6[%dma_start3A_19, %mul3A_8] : memref<3x512xi32, #tpu.memory_space<vmem>> -> memref<1x64xi32, #tpu.memory_space<vmem>>
      %dma_start3A_26 = tpu.memref_squeeze %dma_start3A_25 : memref<1x64xi32, #tpu.memory_space<vmem>> -> memref<64xi32, #tpu.memory_space<vmem>>
      %dma_start3A_27 = arith.constant 0 : i32
      %dma_start3A_28 = arith.constant 0 : i32
      %dma_start3A_29 = tpu.memref_slice %arg2[%dma_start3A_27, %dma_start3A_28] : memref<4096x256xf32, #tpu.memory_space<hbm>> -> memref<4096x256xf32, #tpu.memory_space<hbm>>
      tpu.enqueue_indirect_dma source(%dma_start3A_29 : memref<4096x256xf32, #tpu.memory_space<hbm>>) target(%dma_start3A_24 : memref<64x256xf32, #tpu.memory_space<vmem>>) offsets(%dma_start3A_26 : memref<64xi32, #tpu.memory_space<vmem>>) semaphore(%arg10 : memref<!tpu.dma_semaphore, #tpu.memory_space<semaphore_mem>>)
      %dma_start3A_30 = arith.constant 2 : i32
      %dma_start3A_31 = arith.constant 2 : i32
      %dma_start3A_32 = arith.constant 0 : i32
      %dma_start3A_33 = arith.constant 0 : i32
      %dma_start3A_34 = tpu.memref_slice %arg8[%dma_start3A_31, %dma_start3A_32, %dma_start3A_33] : memref<3x64x256xf32, #tpu.memory_space<vmem>> -> memref<1x64x256xf32, #tpu.memory_space<vmem>>
      %dma_start3A_35 = tpu.memref_squeeze %dma_start3A_34 : memref<1x64x256xf32, #tpu.memory_space<vmem>> -> memref<64x256xf32, #tpu.memory_space<vmem>>
      %dma_start3A_36 = tpu.memref_slice %arg6[%dma_start3A_30, %mul3A_8] : memref<3x512xi32, #tpu.memory_space<vmem>> -> memref<1x64xi32, #tpu.memory_space<vmem>>
      %dma_start3A_37 = tpu.memref_squeeze %dma_start3A_36 : memref<1x64xi32, #tpu.memory_space<vmem>> -> memref<64xi32, #tpu.memory_space<vmem>>
      %dma_start3A_38 = arith.constant 0 : i32
      %dma_start3A_39 = arith.constant 0 : i32
      %dma_start3A_40 = tpu.memref_slice %arg2[%dma_start3A_38, %dma_start3A_39] : memref<4096x256xf32, #tpu.memory_space<hbm>> -> memref<4096x256xf32, #tpu.memory_space<hbm>>
      tpu.enqueue_indirect_dma source(%dma_start3A_40 : memref<4096x256xf32, #tpu.memory_space<hbm>>) target(%dma_start3A_35 : memref<64x256xf32, #tpu.memory_space<vmem>>) offsets(%dma_start3A_37 : memref<64xi32, #tpu.memory_space<vmem>>) semaphore(%arg10 : memref<!tpu.dma_semaphore, #tpu.memory_space<semaphore_mem>>)
      %dma_wait3A = arith.constant 0 : i32
      %dma_wait3A_41 = arith.constant 0 : i32
      %dma_wait3A_42 = arith.constant 0 : i32
      %dma_wait3A_43 = arith.constant 0 : i32
      %dma_wait3A_44 = tpu.memref_slice %arg8[%dma_wait3A_41, %dma_wait3A_42, %dma_wait3A_43] : memref<3x64x256xf32, #tpu.memory_space<vmem>> -> memref<1x64x256xf32, #tpu.memory_space<vmem>>
      %dma_wait3A_45 = tpu.memref_squeeze %dma_wait3A_44 : memref<1x64x256xf32, #tpu.memory_space<vmem>> -> memref<64x256xf32, #tpu.memory_space<vmem>>
      %dma_wait3A_46 = tpu.memref_slice %arg6[%dma_wait3A, %mul3A_8] : memref<3x512xi32, #tpu.memory_space<vmem>> -> memref<1x64xi32, #tpu.memory_space<vmem>>
      %dma_wait3A_47 = tpu.memref_squeeze %dma_wait3A_46 : memref<1x64xi32, #tpu.memory_space<vmem>> -> memref<64xi32, #tpu.memory_space<vmem>>
      %dma_wait3A_48 = arith.constant 0 : i32
      %dma_wait3A_49 = arith.constant 0 : i32
      %dma_wait3A_50 = tpu.memref_slice %arg2[%dma_wait3A_48, %dma_wait3A_49] : memref<4096x256xf32, #tpu.memory_space<hbm>> -> memref<4096x256xf32, #tpu.memory_space<hbm>>
      tpu.wait_indirect_dma semaphore(%arg10 : memref<!tpu.dma_semaphore, #tpu.memory_space<semaphore_mem>>) src(%dma_wait3A_50 : memref<4096x256xf32, #tpu.memory_space<hbm>>) dst(%dma_wait3A_45 : memref<64x256xf32, #tpu.memory_space<vmem>>)
      %dma_wait3A_51 = arith.constant 1 : i32
      %dma_wait3A_52 = arith.constant 1 : i32
      %dma_wait3A_53 = arith.constant 0 : i32
      %dma_wait3A_54 = arith.constant 0 : i32
      %dma_wait3A_55 = tpu.memref_slice %arg8[%dma_wait3A_52, %dma_wait3A_53, %dma_wait3A_54] : memref<3x64x256xf32, #tpu.memory_space<vmem>> -> memref<1x64x256xf32, #tpu.memory_space<vmem>>
      %dma_wait3A_56 = tpu.memref_squeeze %dma_wait3A_55 : memref<1x64x256xf32, #tpu.memory_space<vmem>> -> memref<64x256xf32, #tpu.memory_space<vmem>>
      %dma_wait3A_57 = tpu.memref_slice %arg6[%dma_wait3A_51, %mul3A_8] : memref<3x512xi32, #tpu.memory_space<vmem>> -> memref<1x64xi32, #tpu.memory_space<vmem>>
      %dma_wait3A_58 = tpu.memref_squeeze %dma_wait3A_57 : memref<1x64xi32, #tpu.memory_space<vmem>> -> memref<64xi32, #tpu.memory_space<vmem>>
      %dma_wait3A_59 = arith.constant 0 : i32
      %dma_wait3A_60 = arith.constant 0 : i32
      %dma_wait3A_61 = tpu.memref_slice %arg2[%dma_wait3A_59, %dma_wait3A_60] : memref<4096x256xf32, #tpu.memory_space<hbm>> -> memref<4096x256xf32, #tpu.memory_space<hbm>>
      tpu.wait_indirect_dma semaphore(%arg10 : memref<!tpu.dma_semaphore, #tpu.memory_space<semaphore_mem>>) src(%dma_wait3A_61 : memref<4096x256xf32, #tpu.memory_space<hbm>>) dst(%dma_wait3A_56 : memref<64x256xf32, #tpu.memory_space<vmem>>)
      %dma_wait3A_62 = arith.constant 2 : i32
      %dma_wait3A_63 = arith.constant 2 : i32
      %dma_wait3A_64 = arith.constant 0 : i32
      %dma_wait3A_65 = arith.constant 0 : i32
      %dma_wait3A_66 = tpu.memref_slice %arg8[%dma_wait3A_63, %dma_wait3A_64, %dma_wait3A_65] : memref<3x64x256xf32, #tpu.memory_space<vmem>> -> memref<1x64x256xf32, #tpu.memory_space<vmem>>
      %dma_wait3A_67 = tpu.memref_squeeze %dma_wait3A_66 : memref<1x64x256xf32, #tpu.memory_space<vmem>> -> memref<64x256xf32, #tpu.memory_space<vmem>>
      %dma_wait3A_68 = tpu.memref_slice %arg6[%dma_wait3A_62, %mul3A_8] : memref<3x512xi32, #tpu.memory_space<vmem>> -> memref<1x64xi32, #tpu.memory_space<vmem>>
      %dma_wait3A_69 = tpu.memref_squeeze %dma_wait3A_68 : memref<1x64xi32, #tpu.memory_space<vmem>> -> memref<64xi32, #tpu.memory_space<vmem>>
      %dma_wait3A_70 = arith.constant 0 : i32
      %dma_wait3A_71 = arith.constant 0 : i32
      %dma_wait3A_72 = tpu.memref_slice %arg2[%dma_wait3A_70, %dma_wait3A_71] : memref<4096x256xf32, #tpu.memory_space<hbm>> -> memref<4096x256xf32, #tpu.memory_space<hbm>>
      tpu.wait_indirect_dma semaphore(%arg10 : memref<!tpu.dma_semaphore, #tpu.memory_space<semaphore_mem>>) src(%dma_wait3A_72 : memref<4096x256xf32, #tpu.memory_space<hbm>>) dst(%dma_wait3A_67 : memref<64x256xf32, #tpu.memory_space<vmem>>)
      %scan3A_73 = arith.constant 0 : i32
      %scan3A_74 = arith.constant 0 : i32
      %scan3A_75 = arith.constant 4 : i32
      %scan3A_76 = arith.addi %scan3A_74, %scan3A_75 : i32
      %scan3A_77 = arith.constant 1 : i32
      scf.for %scan3A_82 = %scan3A_74 to %scan3A_76 step %scan3A_77  : i32 {
        %mul3A_83 = arith.constant 16 : i32
        %mul3A_84 = arith.muli %scan3A_82, %mul3A_83 : i32
        %add3A_85 = arith.addi %mul3A_8, %mul3A_84 : i32
        %get3A = arith.constant 0 : i32
        %get3A_86 = arith.index_cast %get3A : i32 to index
        %get3A_87 = arith.index_cast %add3A_85 : i32 to index
        %get3A_88 = tpu.vector_load %arg7[%get3A_86, %get3A_87] {strides = array<i32>} : memref<3x512xf32, #tpu.memory_space<vmem>>, vector<1x16xf32>,
        %get3A_89 = vector.shape_cast %get3A_88 : vector<1x16xf32> to vector<16xf32>
        %mul3A_90 = arith.constant 16 : i32
        %mul3A_91 = arith.muli %scan3A_82, %mul3A_90 : i32
        %add3A_92 = arith.addi %mul3A_8, %mul3A_91 : i32
        %get3A_93 = arith.constant 1 : i32
        %get3A_94 = arith.index_cast %get3A_93 : i32 to index
        %get3A_95 = arith.index_cast %add3A_92 : i32 to index
        %get3A_96 = tpu.vector_load %arg7[%get3A_94, %get3A_95] {strides = array<i32>} : memref<3x512xf32, #tpu.memory_space<vmem>>, vector<1x16xf32>,
        %get3A_97 = vector.shape_cast %get3A_96 : vector<1x16xf32> to vector<16xf32>
        %mul3A_98 = arith.constant 16 : i32
        %mul3A_99 = arith.muli %scan3A_82, %mul3A_98 : i32
        %add3A_100 = arith.addi %mul3A_8, %mul3A_99 : i32
        %get3A_101 = arith.constant 2 : i32
        %get3A_102 = arith.index_cast %get3A_101 : i32 to index
        %get3A_103 = arith.index_cast %add3A_100 : i32 to index
        %get3A_104 = tpu.vector_load %arg7[%get3A_102, %get3A_103] {strides = array<i32>} : memref<3x512xf32, #tpu.memory_space<vmem>>, vector<1x16xf32>,
        %get3A_105 = vector.shape_cast %get3A_104 : vector<1x16xf32> to vector<16xf32>
        %scan3A_106 = arith.constant 0 : i32
        %scan3A_107 = arith.constant 0 : i32
        %scan3A_108 = arith.constant 16 : i32
        %scan3A_109 = arith.addi %scan3A_107, %scan3A_108 : i32
        %scan3A_110 = arith.constant 1 : i32
        scf.for %scan3A_112 = %scan3A_107 to %scan3A_109 step %scan3A_110  : i32 {
          %broadcast_in_dim3A = arith.constant 0 : i32
          %broadcast_in_dim3A_113 = vector.broadcast %broadcast_in_dim3A : i32 to vector<16xi32>
          %add3A_114 = vector.broadcast %scan3A_112 : i32 to vector<16xi32>
          %add3A_115 = arith.addi %broadcast_in_dim3A_113, %add3A_114 : vector<16xi32>
          %lt3A = arith.constant 0 : i32
          %lt3A_116 = vector.broadcast %lt3A : i32 to vector<16xi32>
          %lt3A_117 = arith.cmpi slt, %add3A_115, %lt3A_116 : vector<16xi32>
          %add3A_118 = arith.constant 16 : i32
          %add3A_119 = vector.broadcast %add3A_118 : i32 to vector<16xi32>
          %add3A_120 = arith.addi %add3A_115, %add3A_119 : vector<16xi32>
          %select_n3A = arith.select %lt3A_117, %add3A_120, %add3A_115 : vector<16xi1>, vector<16xi32>
          %broadcast_in_dim3A_121 = vector.shape_cast %select_n3A : vector<16xi32> to vector<16x1xi32>
          %gather3A = vector.shape_cast %broadcast_in_dim3A_121 : vector<16x1xi32> to vector<16xi32>
          %gather3A_122 = tpu.dynamic_gather %get3A_89[%gather3A] in [0] : vector<16xf32>, vector<16xi32> -> vector<16xf32>
          %lt3A_123 = arith.constant 0 : i32
          %lt3A_124 = vector.broadcast %lt3A_123 : i32 to vector<16xi32>
          %lt3A_125 = arith.cmpi slt, %add3A_115, %lt3A_124 : vector<16xi32>
          %add3A_126 = arith.constant 16 : i32
          %add3A_127 = vector.broadcast %add3A_126 : i32 to vector<16xi32>
          %add3A_128 = arith.addi %add3A_115, %add3A_127 : vector<16xi32>
          %select_n3A_129 = arith.select %lt3A_125, %add3A_128, %add3A_115 : vector<16xi1>, vector<16xi32>
          %broadcast_in_dim3A_130 = vector.shape_cast %select_n3A_129 : vector<16xi32> to vector<16x1xi32>
          %gather3A_131 = vector.shape_cast %broadcast_in_dim3A_130 : vector<16x1xi32> to vector<16xi32>
          %gather3A_132 = tpu.dynamic_gather %get3A_97[%gather3A_131] in [0] : vector<16xf32>, vector<16xi32> -> vector<16xf32>
          %lt3A_133 = arith.constant 0 : i32
          %lt3A_134 = vector.broadcast %lt3A_133 : i32 to vector<16xi32>
          %lt3A_135 = arith.cmpi slt, %add3A_115, %lt3A_134 : vector<16xi32>
          %add3A_136 = arith.constant 16 : i32
          %add3A_137 = vector.broadcast %add3A_136 : i32 to vector<16xi32>
          %add3A_138 = arith.addi %add3A_115, %add3A_137 : vector<16xi32>
          %select_n3A_139 = arith.select %lt3A_135, %add3A_138, %add3A_115 : vector<16xi1>, vector<16xi32>
          %broadcast_in_dim3A_140 = vector.shape_cast %select_n3A_139 : vector<16xi32> to vector<16x1xi32>
          %gather3A_141 = vector.shape_cast %broadcast_in_dim3A_140 : vector<16x1xi32> to vector<16xi32>
          %gather3A_142 = tpu.dynamic_gather %get3A_105[%gather3A_141] in [0] : vector<16xf32>, vector<16xi32> -> vector<16xf32>
          %mul3A_143 = arith.constant 16 : i32
          %mul3A_144 = arith.muli %scan3A_82, %mul3A_143 : i32
          %add3A_145 = arith.addi %mul3A_144, %scan3A_112 : i32
          %get3A_146 = arith.constant 0 : i32
          %get3A_147 = arith.index_cast %get3A_146 : i32 to index
          %get3A_148 = arith.index_cast %add3A_145 : i32 to index
          %get3A_149 = arith.constant 0 : index
          %get3A_150 = tpu.vector_load %arg8[%get3A_147, %get3A_148, %get3A_149] {strides = array<i32>} : memref<3x64x256xf32, #tpu.memory_space<vmem>>, vector<1x1x16xf32>,
          %get3A_151 = vector.shape_cast %get3A_150 : vector<1x1x16xf32> to vector<16xf32>
          %mul3A_152 = arith.mulf %gather3A_122, %get3A_151 : vector<16xf32>
          %get3A_153 = arith.constant 1 : i32
          %get3A_154 = arith.index_cast %get3A_153 : i32 to index
          %get3A_155 = arith.index_cast %add3A_145 : i32 to index
          %get3A_156 = arith.constant 0 : index
          %get3A_157 = tpu.vector_load %arg8[%get3A_154, %get3A_155, %get3A_156] {strides = array<i32>} : memref<3x64x256xf32, #tpu.memory_space<vmem>>, vector<1x1x16xf32>,
          %get3A_158 = vector.shape_cast %get3A_157 : vector<1x1x16xf32> to vector<16xf32>
          %mul3A_159 = arith.mulf %gather3A_132, %get3A_158 : vector<16xf32>
          %add3A_160 = arith.addf %mul3A_152, %mul3A_159 : vector<16xf32>
          %get3A_161 = arith.constant 2 : i32
          %get3A_162 = arith.index_cast %get3A_161 : i32 to index
          %get3A_163 = arith.index_cast %add3A_145 : i32 to index
          %get3A_164 = arith.constant 0 : index
          %get3A_165 = tpu.vector_load %arg8[%get3A_162, %get3A_163, %get3A_164] {strides = array<i32>} : memref<3x64x256xf32, #tpu.memory_space<vmem>>, vector<1x1x16xf32>,
          %get3A_166 = vector.shape_cast %get3A_165 : vector<1x1x16xf32> to vector<16xf32>
          %mul3A_167 = arith.mulf %gather3A_142, %get3A_166 : vector<16xf32>
          %add3A_168 = arith.addf %add3A_160, %mul3A_167 : vector<16xf32>
          %swap3A = arith.index_cast %add3A_145 : i32 to index
          %swap3A_169 = arith.constant 0 : index
          %swap3A_170 = tpu.vector_load %arg9[%swap3A, %swap3A_169] {strides = array<i32>} : memref<64x256xf32, #tpu.memory_space<vmem>>, vector<1x16xf32>,
          %swap3A_171 = vector.shape_cast %swap3A_170 : vector<1x16xf32> to vector<16xf32>
          %swap3A_172 = vector.shape_cast %add3A_168 : vector<16xf32> to vector<1x16xf32>
          tpu.vector_store %arg9[%swap3A, %swap3A_169], %swap3A_172 {strides = array<i32>} : memref<64x256xf32, #tpu.memory_space<vmem>>, vector<1x16xf32>,
          %get3A_173 = arith.constant 0 : i32
          %get3A_174 = arith.index_cast %get3A_173 : i32 to index
          %get3A_175 = arith.index_cast %add3A_145 : i32 to index
          %get3A_176 = arith.constant 16 : index
          %get3A_177 = tpu.vector_load %arg8[%get3A_174, %get3A_175, %get3A_176] {strides = array<i32>} : memref<3x64x256xf32, #tpu.memory_space<vmem>>, vector<1x1x16xf32>,
          %get3A_178 = vector.shape_cast %get3A_177 : vector<1x1x16xf32> to vector<16xf32>
          %mul3A_179 = arith.mulf %gather3A_122, %get3A_178 : vector<16xf32>
          %get3A_180 = arith.constant 1 : i32
          %get3A_181 = arith.index_cast %get3A_180 : i32 to index
          %get3A_182 = arith.index_cast %add3A_145 : i32 to index
          %get3A_183 = arith.constant 16 : index
          %get3A_184 = tpu.vector_load %arg8[%get3A_181, %get3A_182, %get3A_183] {strides = array<i32>} : memref<3x64x256xf32, #tpu.memory_space<vmem>>, vector<1x1x16xf32>,
          %get3A_185 = vector.shape_cast %get3A_184 : vector<1x1x16xf32> to vector<16xf32>
          %mul3A_186 = arith.mulf %gather3A_132, %get3A_185 : vector<16xf32>
          %add3A_187 = arith.addf %mul3A_179, %mul3A_186 : vector<16xf32>
          %get3A_188 = arith.constant 2 : i32
          %get3A_189 = arith.index_cast %get3A_188 : i32 to index
          %get3A_190 = arith.index_cast %add3A_145 : i32 to index
          %get3A_191 = arith.constant 16 : index
          %get3A_192 = tpu.vector_load %arg8[%get3A_189, %get3A_190, %get3A_191] {strides = array<i32>} : memref<3x64x256xf32, #tpu.memory_space<vmem>>, vector<1x1x16xf32>,
          %get3A_193 = vector.shape_cast %get3A_192 : vector<1x1x16xf32> to vector<16xf32>
          %mul3A_194 = arith.mulf %gather3A_142, %get3A_193 : vector<16xf32>
          %add3A_195 = arith.addf %add3A_187, %mul3A_194 : vector<16xf32>
          %swap3A_196 = arith.index_cast %add3A_145 : i32 to index
          %swap3A_197 = arith.constant 16 : index
          %swap3A_198 = tpu.vector_load %arg9[%swap3A_196, %swap3A_197] {strides = array<i32>} : memref<64x256xf32, #tpu.memory_space<vmem>>, vector<1x16xf32>,
          %swap3A_199 = vector.shape_cast %swap3A_198 : vector<1x16xf32> to vector<16xf32>
          %swap3A_200 = vector.shape_cast %add3A_195 : vector<16xf32> to vector<1x16xf32>
          tpu.vector_store %arg9[%swap3A_196, %swap3A_197], %swap3A_200 {strides = array<i32>} : memref<64x256xf32, #tpu.memory_space<vmem>>, vector<1x16xf32>,
          %get3A_201 = arith.constant 0 : i32
          %get3A_202 = arith.index_cast %get3A_201 : i32 to index
          %get3A_203 = arith.index_cast %add3A_145 : i32 to index
          %get3A_204 = arith.constant 32 : index
          %get3A_205 = tpu.vector_load %arg8[%get3A_202, %get3A_203, %get3A_204] {strides = array<i32>} : memref<3x64x256xf32, #tpu.memory_space<vmem>>, vector<1x1x16xf32>,
          %get3A_206 = vector.shape_cast %get3A_205 : vector<1x1x16xf32> to vector<16xf32>
          %mul3A_207 = arith.mulf %gather3A_122, %get3A_206 : vector<16xf32>
          %get3A_208 = arith.constant 1 : i32
          %get3A_209 = arith.index_cast %get3A_208 : i32 to index
          %get3A_210 = arith.index_cast %add3A_145 : i32 to index
          %get3A_211 = arith.constant 32 : index
          %get3A_212 = tpu.vector_load %arg8[%get3A_209, %get3A_210, %get3A_211] {strides = array<i32>} : memref<3x64x256xf32, #tpu.memory_space<vmem>>, vector<1x1x16xf32>,
          %get3A_213 = vector.shape_cast %get3A_212 : vector<1x1x16xf32> to vector<16xf32>
          %mul3A_214 = arith.mulf %gather3A_132, %get3A_213 : vector<16xf32>
          %add3A_215 = arith.addf %mul3A_207, %mul3A_214 : vector<16xf32>
          %get3A_216 = arith.constant 2 : i32
          %get3A_217 = arith.index_cast %get3A_216 : i32 to index
          %get3A_218 = arith.index_cast %add3A_145 : i32 to index
          %get3A_219 = arith.constant 32 : index
          %get3A_220 = tpu.vector_load %arg8[%get3A_217, %get3A_218, %get3A_219] {strides = array<i32>} : memref<3x64x256xf32, #tpu.memory_space<vmem>>, vector<1x1x16xf32>,
          %get3A_221 = vector.shape_cast %get3A_220 : vector<1x1x16xf32> to vector<16xf32>
          %mul3A_222 = arith.mulf %gather3A_142, %get3A_221 : vector<16xf32>
          %add3A_223 = arith.addf %add3A_215, %mul3A_222 : vector<16xf32>
          %swap3A_224 = arith.index_cast %add3A_145 : i32 to index
          %swap3A_225 = arith.constant 32 : index
          %swap3A_226 = tpu.vector_load %arg9[%swap3A_224, %swap3A_225] {strides = array<i32>} : memref<64x256xf32, #tpu.memory_space<vmem>>, vector<1x16xf32>,
          %swap3A_227 = vector.shape_cast %swap3A_226 : vector<1x16xf32> to vector<16xf32>
          %swap3A_228 = vector.shape_cast %add3A_223 : vector<16xf32> to vector<1x16xf32>
          tpu.vector_store %arg9[%swap3A_224, %swap3A_225], %swap3A_228 {strides = array<i32>} : memref<64x256xf32, #tpu.memory_space<vmem>>, vector<1x16xf32>,
          %get3A_229 = arith.constant 0 : i32
          %get3A_230 = arith.index_cast %get3A_229 : i32 to index
          %get3A_231 = arith.index_cast %add3A_145 : i32 to index
          %get3A_232 = arith.constant 48 : index
          %get3A_233 = tpu.vector_load %arg8[%get3A_230, %get3A_231, %get3A_232] {strides = array<i32>} : memref<3x64x256xf32, #tpu.memory_space<vmem>>, vector<1x1x16xf32>,
          %get3A_234 = vector.shape_cast %get3A_233 : vector<1x1x16xf32> to vector<16xf32>
          %mul3A_235 = arith.mulf %gather3A_122, %get3A_234 : vector<16xf32>
          %get3A_236 = arith.constant 1 : i32
          %get3A_237 = arith.index_cast %get3A_236 : i32 to index
          %get3A_238 = arith.index_cast %add3A_145 : i32 to index
          %get3A_239 = arith.constant 48 : index
          %get3A_240 = tpu.vector_load %arg8[%get3A_237, %get3A_238, %get3A_239] {strides = array<i32>} : memref<3x64x256xf32, #tpu.memory_space<vmem>>, vector<1x1x16xf32>,
          %get3A_241 = vector.shape_cast %get3A_240 : vector<1x1x16xf32> to vector<16xf32>
          %mul3A_242 = arith.mulf %gather3A_132, %get3A_241 : vector<16xf32>
          %add3A_243 = arith.addf %mul3A_235, %mul3A_242 : vector<16xf32>
          %get3A_244 = arith.constant 2 : i32
          %get3A_245 = arith.index_cast %get3A_244 : i32 to index
          %get3A_246 = arith.index_cast %add3A_145 : i32 to index
          %get3A_247 = arith.constant 48 : index
          %get3A_248 = tpu.vector_load %arg8[%get3A_245, %get3A_246, %get3A_247] {strides = array<i32>} : memref<3x64x256xf32, #tpu.memory_space<vmem>>, vector<1x1x16xf32>,
          %get3A_249 = vector.shape_cast %get3A_248 : vector<1x1x16xf32> to vector<16xf32>
          %mul3A_250 = arith.mulf %gather3A_142, %get3A_249 : vector<16xf32>
          %add3A_251 = arith.addf %add3A_243, %mul3A_250 : vector<16xf32>
          %swap3A_252 = arith.index_cast %add3A_145 : i32 to index
          %swap3A_253 = arith.constant 48 : index
          %swap3A_254 = tpu.vector_load %arg9[%swap3A_252, %swap3A_253] {strides = array<i32>} : memref<64x256xf32, #tpu.memory_space<vmem>>, vector<1x16xf32>,
          %swap3A_255 = vector.shape_cast %swap3A_254 : vector<1x16xf32> to vector<16xf32>
          %swap3A_256 = vector.shape_cast %add3A_251 : vector<16xf32> to vector<1x16xf32>
          tpu.vector_store %arg9[%swap3A_252, %swap3A_253], %swap3A_256 {strides = array<i32>} : memref<64x256xf32, #tpu.memory_space<vmem>>, vector<1x16xf32>,
          %get3A_257 = arith.constant 0 : i32
          %get3A_258 = arith.index_cast %get3A_257 : i32 to index
          %get3A_259 = arith.index_cast %add3A_145 : i32 to index
          %get3A_260 = arith.constant 64 : index
          %get3A_261 = tpu.vector_load %arg8[%get3A_258, %get3A_259, %get3A_260] {strides = array<i32>} : memref<3x64x256xf32, #tpu.memory_space<vmem>>, vector<1x1x16xf32>,
          %get3A_262 = vector.shape_cast %get3A_261 : vector<1x1x16xf32> to vector<16xf32>
          %mul3A_263 = arith.mulf %gather3A_122, %get3A_262 : vector<16xf32>
          %get3A_264 = arith.constant 1 : i32
          %get3A_265 = arith.index_cast %get3A_264 : i32 to index
          %get3A_266 = arith.index_cast %add3A_145 : i32 to index
          %get3A_267 = arith.constant 64 : index
          %get3A_268 = tpu.vector_load %arg8[%get3A_265, %get3A_266, %get3A_267] {strides = array<i32>} : memref<3x64x256xf32, #tpu.memory_space<vmem>>, vector<1x1x16xf32>,
          %get3A_269 = vector.shape_cast %get3A_268 : vector<1x1x16xf32> to vector<16xf32>
          %mul3A_270 = arith.mulf %gather3A_132, %get3A_269 : vector<16xf32>
          %add3A_271 = arith.addf %mul3A_263, %mul3A_270 : vector<16xf32>
          %get3A_272 = arith.constant 2 : i32
          %get3A_273 = arith.index_cast %get3A_272 : i32 to index
          %get3A_274 = arith.index_cast %add3A_145 : i32 to index
          %get3A_275 = arith.constant 64 : index
          %get3A_276 = tpu.vector_load %arg8[%get3A_273, %get3A_274, %get3A_275] {strides = array<i32>} : memref<3x64x256xf32, #tpu.memory_space<vmem>>, vector<1x1x16xf32>,
          %get3A_277 = vector.shape_cast %get3A_276 : vector<1x1x16xf32> to vector<16xf32>
          %mul3A_278 = arith.mulf %gather3A_142, %get3A_277 : vector<16xf32>
          %add3A_279 = arith.addf %add3A_271, %mul3A_278 : vector<16xf32>
          %swap3A_280 = arith.index_cast %add3A_145 : i32 to index
          %swap3A_281 = arith.constant 64 : index
          %swap3A_282 = tpu.vector_load %arg9[%swap3A_280, %swap3A_281] {strides = array<i32>} : memref<64x256xf32, #tpu.memory_space<vmem>>, vector<1x16xf32>,
          %swap3A_283 = vector.shape_cast %swap3A_282 : vector<1x16xf32> to vector<16xf32>
          %swap3A_284 = vector.shape_cast %add3A_279 : vector<16xf32> to vector<1x16xf32>
          tpu.vector_store %arg9[%swap3A_280, %swap3A_281], %swap3A_284 {strides = array<i32>} : memref<64x256xf32, #tpu.memory_space<vmem>>, vector<1x16xf32>,
          %get3A_285 = arith.constant 0 : i32
          %get3A_286 = arith.index_cast %get3A_285 : i32 to index
          %get3A_287 = arith.index_cast %add3A_145 : i32 to index
          %get3A_288 = arith.constant 80 : index
          %get3A_289 = tpu.vector_load %arg8[%get3A_286, %get3A_287, %get3A_288] {strides = array<i32>} : memref<3x64x256xf32, #tpu.memory_space<vmem>>, vector<1x1x16xf32>,
          %get3A_290 = vector.shape_cast %get3A_289 : vector<1x1x16xf32> to vector<16xf32>
          %mul3A_291 = arith.mulf %gather3A_122, %get3A_290 : vector<16xf32>
          %get3A_292 = arith.constant 1 : i32
          %get3A_293 = arith.index_cast %get3A_292 : i32 to index
          %get3A_294 = arith.index_cast %add3A_145 : i32 to index
          %get3A_295 = arith.constant 80 : index
          %get3A_296 = tpu.vector_load %arg8[%get3A_293, %get3A_294, %get3A_295] {strides = array<i32>} : memref<3x64x256xf32, #tpu.memory_space<vmem>>, vector<1x1x16xf32>,
          %get3A_297 = vector.shape_cast %get3A_296 : vector<1x1x16xf32> to vector<16xf32>
          %mul3A_298 = arith.mulf %gather3A_132, %get3A_297 : vector<16xf32>
          %add3A_299 = arith.addf %mul3A_291, %mul3A_298 : vector<16xf32>
          %get3A_300 = arith.constant 2 : i32
          %get3A_301 = arith.index_cast %get3A_300 : i32 to index
          %get3A_302 = arith.index_cast %add3A_145 : i32 to index
          %get3A_303 = arith.constant 80 : index
          %get3A_304 = tpu.vector_load %arg8[%get3A_301, %get3A_302, %get3A_303] {strides = array<i32>} : memref<3x64x256xf32, #tpu.memory_space<vmem>>, vector<1x1x16xf32>,
          %get3A_305 = vector.shape_cast %get3A_304 : vector<1x1x16xf32> to vector<16xf32>
          %mul3A_306 = arith.mulf %gather3A_142, %get3A_305 : vector<16xf32>
          %add3A_307 = arith.addf %add3A_299, %mul3A_306 : vector<16xf32>
          %swap3A_308 = arith.index_cast %add3A_145 : i32 to index
          %swap3A_309 = arith.constant 80 : index
          %swap3A_310 = tpu.vector_load %arg9[%swap3A_308, %swap3A_309] {strides = array<i32>} : memref<64x256xf32, #tpu.memory_space<vmem>>, vector<1x16xf32>,
          %swap3A_311 = vector.shape_cast %swap3A_310 : vector<1x16xf32> to vector<16xf32>
          %swap3A_312 = vector.shape_cast %add3A_307 : vector<16xf32> to vector<1x16xf32>
          tpu.vector_store %arg9[%swap3A_308, %swap3A_309], %swap3A_312 {strides = array<i32>} : memref<64x256xf32, #tpu.memory_space<vmem>>, vector<1x16xf32>,
          %get3A_313 = arith.constant 0 : i32
          %get3A_314 = arith.index_cast %get3A_313 : i32 to index
          %get3A_315 = arith.index_cast %add3A_145 : i32 to index
          %get3A_316 = arith.constant 96 : index
          %get3A_317 = tpu.vector_load %arg8[%get3A_314, %get3A_315, %get3A_316] {strides = array<i32>} : memref<3x64x256xf32, #tpu.memory_space<vmem>>, vector<1x1x16xf32>,
          %get3A_318 = vector.shape_cast %get3A_317 : vector<1x1x16xf32> to vector<16xf32>
          %mul3A_319 = arith.mulf %gather3A_122, %get3A_318 : vector<16xf32>
          %get3A_320 = arith.constant 1 : i32
          %get3A_321 = arith.index_cast %get3A_320 : i32 to index
          %get3A_322 = arith.index_cast %add3A_145 : i32 to index
          %get3A_323 = arith.constant 96 : index
          %get3A_324 = tpu.vector_load %arg8[%get3A_321, %get3A_322, %get3A_323] {strides = array<i32>} : memref<3x64x256xf32, #tpu.memory_space<vmem>>, vector<1x1x16xf32>,
          %get3A_325 = vector.shape_cast %get3A_324 : vector<1x1x16xf32> to vector<16xf32>
          %mul3A_326 = arith.mulf %gather3A_132, %get3A_325 : vector<16xf32>
          %add3A_327 = arith.addf %mul3A_319, %mul3A_326 : vector<16xf32>
          %get3A_328 = arith.constant 2 : i32
          %get3A_329 = arith.index_cast %get3A_328 : i32 to index
          %get3A_330 = arith.index_cast %add3A_145 : i32 to index
          %get3A_331 = arith.constant 96 : index
          %get3A_332 = tpu.vector_load %arg8[%get3A_329, %get3A_330, %get3A_331] {strides = array<i32>} : memref<3x64x256xf32, #tpu.memory_space<vmem>>, vector<1x1x16xf32>,
          %get3A_333 = vector.shape_cast %get3A_332 : vector<1x1x16xf32> to vector<16xf32>
          %mul3A_334 = arith.mulf %gather3A_142, %get3A_333 : vector<16xf32>
          %add3A_335 = arith.addf %add3A_327, %mul3A_334 : vector<16xf32>
          %swap3A_336 = arith.index_cast %add3A_145 : i32 to index
          %swap3A_337 = arith.constant 96 : index
          %swap3A_338 = tpu.vector_load %arg9[%swap3A_336, %swap3A_337] {strides = array<i32>} : memref<64x256xf32, #tpu.memory_space<vmem>>, vector<1x16xf32>,
          %swap3A_339 = vector.shape_cast %swap3A_338 : vector<1x16xf32> to vector<16xf32>
          %swap3A_340 = vector.shape_cast %add3A_335 : vector<16xf32> to vector<1x16xf32>
          tpu.vector_store %arg9[%swap3A_336, %swap3A_337], %swap3A_340 {strides = array<i32>} : memref<64x256xf32, #tpu.memory_space<vmem>>, vector<1x16xf32>,
          %get3A_341 = arith.constant 0 : i32
          %get3A_342 = arith.index_cast %get3A_341 : i32 to index
          %get3A_343 = arith.index_cast %add3A_145 : i32 to index
          %get3A_344 = arith.constant 112 : index
          %get3A_345 = tpu.vector_load %arg8[%get3A_342, %get3A_343, %get3A_344] {strides = array<i32>} : memref<3x64x256xf32, #tpu.memory_space<vmem>>, vector<1x1x16xf32>,
          %get3A_346 = vector.shape_cast %get3A_345 : vector<1x1x16xf32> to vector<16xf32>
          %mul3A_347 = arith.mulf %gather3A_122, %get3A_346 : vector<16xf32>
          %get3A_348 = arith.constant 1 : i32
          %get3A_349 = arith.index_cast %get3A_348 : i32 to index
          %get3A_350 = arith.index_cast %add3A_145 : i32 to index
          %get3A_351 = arith.constant 112 : index
          %get3A_352 = tpu.vector_load %arg8[%get3A_349, %get3A_350, %get3A_351] {strides = array<i32>} : memref<3x64x256xf32, #tpu.memory_space<vmem>>, vector<1x1x16xf32>,
          %get3A_353 = vector.shape_cast %get3A_352 : vector<1x1x16xf32> to vector<16xf32>
          %mul3A_354 = arith.mulf %gather3A_132, %get3A_353 : vector<16xf32>
          %add3A_355 = arith.addf %mul3A_347, %mul3A_354 : vector<16xf32>
          %get3A_356 = arith.constant 2 : i32
          %get3A_357 = arith.index_cast %get3A_356 : i32 to index
          %get3A_358 = arith.index_cast %add3A_145 : i32 to index
          %get3A_359 = arith.constant 112 : index
          %get3A_360 = tpu.vector_load %arg8[%get3A_357, %get3A_358, %get3A_359] {strides = array<i32>} : memref<3x64x256xf32, #tpu.memory_space<vmem>>, vector<1x1x16xf32>,
          %get3A_361 = vector.shape_cast %get3A_360 : vector<1x1x16xf32> to vector<16xf32>
          %mul3A_362 = arith.mulf %gather3A_142, %get3A_361 : vector<16xf32>
          %add3A_363 = arith.addf %add3A_355, %mul3A_362 : vector<16xf32>
          %swap3A_364 = arith.index_cast %add3A_145 : i32 to index
          %swap3A_365 = arith.constant 112 : index
          %swap3A_366 = tpu.vector_load %arg9[%swap3A_364, %swap3A_365] {strides = array<i32>} : memref<64x256xf32, #tpu.memory_space<vmem>>, vector<1x16xf32>,
          %swap3A_367 = vector.shape_cast %swap3A_366 : vector<1x16xf32> to vector<16xf32>
          %swap3A_368 = vector.shape_cast %add3A_363 : vector<16xf32> to vector<1x16xf32>
          tpu.vector_store %arg9[%swap3A_364, %swap3A_365], %swap3A_368 {strides = array<i32>} : memref<64x256xf32, #tpu.memory_space<vmem>>, vector<1x16xf32>,
          %get3A_369 = arith.constant 0 : i32
          %get3A_370 = arith.index_cast %get3A_369 : i32 to index
          %get3A_371 = arith.index_cast %add3A_145 : i32 to index
          %get3A_372 = arith.constant 128 : index
          %get3A_373 = tpu.vector_load %arg8[%get3A_370, %get3A_371, %get3A_372] {strides = array<i32>} : memref<3x64x256xf32, #tpu.memory_space<vmem>>, vector<1x1x16xf32>,
          %get3A_374 = vector.shape_cast %get3A_373 : vector<1x1x16xf32> to vector<16xf32>
          %mul3A_375 = arith.mulf %gather3A_122, %get3A_374 : vector<16xf32>
          %get3A_376 = arith.constant 1 : i32
          %get3A_377 = arith.index_cast %get3A_376 : i32 to index
          %get3A_378 = arith.index_cast %add3A_145 : i32 to index
          %get3A_379 = arith.constant 128 : index
          %get3A_380 = tpu.vector_load %arg8[%get3A_377, %get3A_378, %get3A_379] {strides = array<i32>} : memref<3x64x256xf32, #tpu.memory_space<vmem>>, vector<1x1x16xf32>,
          %get3A_381 = vector.shape_cast %get3A_380 : vector<1x1x16xf32> to vector<16xf32>
          %mul3A_382 = arith.mulf %gather3A_132, %get3A_381 : vector<16xf32>
          %add3A_383 = arith.addf %mul3A_375, %mul3A_382 : vector<16xf32>
          %get3A_384 = arith.constant 2 : i32
          %get3A_385 = arith.index_cast %get3A_384 : i32 to index
          %get3A_386 = arith.index_cast %add3A_145 : i32 to index
          %get3A_387 = arith.constant 128 : index
          %get3A_388 = tpu.vector_load %arg8[%get3A_385, %get3A_386, %get3A_387] {strides = array<i32>} : memref<3x64x256xf32, #tpu.memory_space<vmem>>, vector<1x1x16xf32>,
          %get3A_389 = vector.shape_cast %get3A_388 : vector<1x1x16xf32> to vector<16xf32>
          %mul3A_390 = arith.mulf %gather3A_142, %get3A_389 : vector<16xf32>
          %add3A_391 = arith.addf %add3A_383, %mul3A_390 : vector<16xf32>
          %swap3A_392 = arith.index_cast %add3A_145 : i32 to index
          %swap3A_393 = arith.constant 128 : index
          %swap3A_394 = tpu.vector_load %arg9[%swap3A_392, %swap3A_393] {strides = array<i32>} : memref<64x256xf32, #tpu.memory_space<vmem>>, vector<1x16xf32>,
          %swap3A_395 = vector.shape_cast %swap3A_394 : vector<1x16xf32> to vector<16xf32>
          %swap3A_396 = vector.shape_cast %add3A_391 : vector<16xf32> to vector<1x16xf32>
          tpu.vector_store %arg9[%swap3A_392, %swap3A_393], %swap3A_396 {strides = array<i32>} : memref<64x256xf32, #tpu.memory_space<vmem>>, vector<1x16xf32>,
          %get3A_397 = arith.constant 0 : i32
          %get3A_398 = arith.index_cast %get3A_397 : i32 to index
          %get3A_399 = arith.index_cast %add3A_145 : i32 to index
          %get3A_400 = arith.constant 144 : index
          %get3A_401 = tpu.vector_load %arg8[%get3A_398, %get3A_399, %get3A_400] {strides = array<i32>} : memref<3x64x256xf32, #tpu.memory_space<vmem>>, vector<1x1x16xf32>,
          %get3A_402 = vector.shape_cast %get3A_401 : vector<1x1x16xf32> to vector<16xf32>
          %mul3A_403 = arith.mulf %gather3A_122, %get3A_402 : vector<16xf32>
          %get3A_404 = arith.constant 1 : i32
          %get3A_405 = arith.index_cast %get3A_404 : i32 to index
          %get3A_406 = arith.index_cast %add3A_145 : i32 to index
          %get3A_407 = arith.constant 144 : index
          %get3A_408 = tpu.vector_load %arg8[%get3A_405, %get3A_406, %get3A_407] {strides = array<i32>} : memref<3x64x256xf32, #tpu.memory_space<vmem>>, vector<1x1x16xf32>,
          %get3A_409 = vector.shape_cast %get3A_408 : vector<1x1x16xf32> to vector<16xf32>
          %mul3A_410 = arith.mulf %gather3A_132, %get3A_409 : vector<16xf32>
          %add3A_411 = arith.addf %mul3A_403, %mul3A_410 : vector<16xf32>
          %get3A_412 = arith.constant 2 : i32
          %get3A_413 = arith.index_cast %get3A_412 : i32 to index
          %get3A_414 = arith.index_cast %add3A_145 : i32 to index
          %get3A_415 = arith.constant 144 : index
          %get3A_416 = tpu.vector_load %arg8[%get3A_413, %get3A_414, %get3A_415] {strides = array<i32>} : memref<3x64x256xf32, #tpu.memory_space<vmem>>, vector<1x1x16xf32>,
          %get3A_417 = vector.shape_cast %get3A_416 : vector<1x1x16xf32> to vector<16xf32>
          %mul3A_418 = arith.mulf %gather3A_142, %get3A_417 : vector<16xf32>
          %add3A_419 = arith.addf %add3A_411, %mul3A_418 : vector<16xf32>
          %swap3A_420 = arith.index_cast %add3A_145 : i32 to index
          %swap3A_421 = arith.constant 144 : index
          %swap3A_422 = tpu.vector_load %arg9[%swap3A_420, %swap3A_421] {strides = array<i32>} : memref<64x256xf32, #tpu.memory_space<vmem>>, vector<1x16xf32>,
          %swap3A_423 = vector.shape_cast %swap3A_422 : vector<1x16xf32> to vector<16xf32>
          %swap3A_424 = vector.shape_cast %add3A_419 : vector<16xf32> to vector<1x16xf32>
          tpu.vector_store %arg9[%swap3A_420, %swap3A_421], %swap3A_424 {strides = array<i32>} : memref<64x256xf32, #tpu.memory_space<vmem>>, vector<1x16xf32>,
          %get3A_425 = arith.constant 0 : i32
          %get3A_426 = arith.index_cast %get3A_425 : i32 to index
          %get3A_427 = arith.index_cast %add3A_145 : i32 to index
          %get3A_428 = arith.constant 160 : index
          %get3A_429 = tpu.vector_load %arg8[%get3A_426, %get3A_427, %get3A_428] {strides = array<i32>} : memref<3x64x256xf32, #tpu.memory_space<vmem>>, vector<1x1x16xf32>,
          %get3A_430 = vector.shape_cast %get3A_429 : vector<1x1x16xf32> to vector<16xf32>
          %mul3A_431 = arith.mulf %gather3A_122, %get3A_430 : vector<16xf32>
          %get3A_432 = arith.constant 1 : i32
          %get3A_433 = arith.index_cast %get3A_432 : i32 to index
          %get3A_434 = arith.index_cast %add3A_145 : i32 to index
          %get3A_435 = arith.constant 160 : index
          %get3A_436 = tpu.vector_load %arg8[%get3A_433, %get3A_434, %get3A_435] {strides = array<i32>} : memref<3x64x256xf32, #tpu.memory_space<vmem>>, vector<1x1x16xf32>,
          %get3A_437 = vector.shape_cast %get3A_436 : vector<1x1x16xf32> to vector<16xf32>
          %mul3A_438 = arith.mulf %gather3A_132, %get3A_437 : vector<16xf32>
          %add3A_439 = arith.addf %mul3A_431, %mul3A_438 : vector<16xf32>
          %get3A_440 = arith.constant 2 : i32
          %get3A_441 = arith.index_cast %get3A_440 : i32 to index
          %get3A_442 = arith.index_cast %add3A_145 : i32 to index
          %get3A_443 = arith.constant 160 : index
          %get3A_444 = tpu.vector_load %arg8[%get3A_441, %get3A_442, %get3A_443] {strides = array<i32>} : memref<3x64x256xf32, #tpu.memory_space<vmem>>, vector<1x1x16xf32>,
          %get3A_445 = vector.shape_cast %get3A_444 : vector<1x1x16xf32> to vector<16xf32>
          %mul3A_446 = arith.mulf %gather3A_142, %get3A_445 : vector<16xf32>
          %add3A_447 = arith.addf %add3A_439, %mul3A_446 : vector<16xf32>
          %swap3A_448 = arith.index_cast %add3A_145 : i32 to index
          %swap3A_449 = arith.constant 160 : index
          %swap3A_450 = tpu.vector_load %arg9[%swap3A_448, %swap3A_449] {strides = array<i32>} : memref<64x256xf32, #tpu.memory_space<vmem>>, vector<1x16xf32>,
          %swap3A_451 = vector.shape_cast %swap3A_450 : vector<1x16xf32> to vector<16xf32>
          %swap3A_452 = vector.shape_cast %add3A_447 : vector<16xf32> to vector<1x16xf32>
          tpu.vector_store %arg9[%swap3A_448, %swap3A_449], %swap3A_452 {strides = array<i32>} : memref<64x256xf32, #tpu.memory_space<vmem>>, vector<1x16xf32>,
          %get3A_453 = arith.constant 0 : i32
          %get3A_454 = arith.index_cast %get3A_453 : i32 to index
          %get3A_455 = arith.index_cast %add3A_145 : i32 to index
          %get3A_456 = arith.constant 176 : index
          %get3A_457 = tpu.vector_load %arg8[%get3A_454, %get3A_455, %get3A_456] {strides = array<i32>} : memref<3x64x256xf32, #tpu.memory_space<vmem>>, vector<1x1x16xf32>,
          %get3A_458 = vector.shape_cast %get3A_457 : vector<1x1x16xf32> to vector<16xf32>
          %mul3A_459 = arith.mulf %gather3A_122, %get3A_458 : vector<16xf32>
          %get3A_460 = arith.constant 1 : i32
          %get3A_461 = arith.index_cast %get3A_460 : i32 to index
          %get3A_462 = arith.index_cast %add3A_145 : i32 to index
          %get3A_463 = arith.constant 176 : index
          %get3A_464 = tpu.vector_load %arg8[%get3A_461, %get3A_462, %get3A_463] {strides = array<i32>} : memref<3x64x256xf32, #tpu.memory_space<vmem>>, vector<1x1x16xf32>,
          %get3A_465 = vector.shape_cast %get3A_464 : vector<1x1x16xf32> to vector<16xf32>
          %mul3A_466 = arith.mulf %gather3A_132, %get3A_465 : vector<16xf32>
          %add3A_467 = arith.addf %mul3A_459, %mul3A_466 : vector<16xf32>
          %get3A_468 = arith.constant 2 : i32
          %get3A_469 = arith.index_cast %get3A_468 : i32 to index
          %get3A_470 = arith.index_cast %add3A_145 : i32 to index
          %get3A_471 = arith.constant 176 : index
          %get3A_472 = tpu.vector_load %arg8[%get3A_469, %get3A_470, %get3A_471] {strides = array<i32>} : memref<3x64x256xf32, #tpu.memory_space<vmem>>, vector<1x1x16xf32>,
          %get3A_473 = vector.shape_cast %get3A_472 : vector<1x1x16xf32> to vector<16xf32>
          %mul3A_474 = arith.mulf %gather3A_142, %get3A_473 : vector<16xf32>
          %add3A_475 = arith.addf %add3A_467, %mul3A_474 : vector<16xf32>
          %swap3A_476 = arith.index_cast %add3A_145 : i32 to index
          %swap3A_477 = arith.constant 176 : index
          %swap3A_478 = tpu.vector_load %arg9[%swap3A_476, %swap3A_477] {strides = array<i32>} : memref<64x256xf32, #tpu.memory_space<vmem>>, vector<1x16xf32>,
          %swap3A_479 = vector.shape_cast %swap3A_478 : vector<1x16xf32> to vector<16xf32>
          %swap3A_480 = vector.shape_cast %add3A_475 : vector<16xf32> to vector<1x16xf32>
          tpu.vector_store %arg9[%swap3A_476, %swap3A_477], %swap3A_480 {strides = array<i32>} : memref<64x256xf32, #tpu.memory_space<vmem>>, vector<1x16xf32>,
          %get3A_481 = arith.constant 0 : i32
          %get3A_482 = arith.index_cast %get3A_481 : i32 to index
          %get3A_483 = arith.index_cast %add3A_145 : i32 to index
          %get3A_484 = arith.constant 192 : index
          %get3A_485 = tpu.vector_load %arg8[%get3A_482, %get3A_483, %get3A_484] {strides = array<i32>} : memref<3x64x256xf32, #tpu.memory_space<vmem>>, vector<1x1x16xf32>,
          %get3A_486 = vector.shape_cast %get3A_485 : vector<1x1x16xf32> to vector<16xf32>
          %mul3A_487 = arith.mulf %gather3A_122, %get3A_486 : vector<16xf32>
          %get3A_488 = arith.constant 1 : i32
          %get3A_489 = arith.index_cast %get3A_488 : i32 to index
          %get3A_490 = arith.index_cast %add3A_145 : i32 to index
          %get3A_491 = arith.constant 192 : index
          %get3A_492 = tpu.vector_load %arg8[%get3A_489, %get3A_490, %get3A_491] {strides = array<i32>} : memref<3x64x256xf32, #tpu.memory_space<vmem>>, vector<1x1x16xf32>,
          %get3A_493 = vector.shape_cast %get3A_492 : vector<1x1x16xf32> to vector<16xf32>
          %mul3A_494 = arith.mulf %gather3A_132, %get3A_493 : vector<16xf32>
          %add3A_495 = arith.addf %mul3A_487, %mul3A_494 : vector<16xf32>
          %get3A_496 = arith.constant 2 : i32
          %get3A_497 = arith.index_cast %get3A_496 : i32 to index
          %get3A_498 = arith.index_cast %add3A_145 : i32 to index
          %get3A_499 = arith.constant 192 : index
          %get3A_500 = tpu.vector_load %arg8[%get3A_497, %get3A_498, %get3A_499] {strides = array<i32>} : memref<3x64x256xf32, #tpu.memory_space<vmem>>, vector<1x1x16xf32>,
          %get3A_501 = vector.shape_cast %get3A_500 : vector<1x1x16xf32> to vector<16xf32>
          %mul3A_502 = arith.mulf %gather3A_142, %get3A_501 : vector<16xf32>
          %add3A_503 = arith.addf %add3A_495, %mul3A_502 : vector<16xf32>
          %swap3A_504 = arith.index_cast %add3A_145 : i32 to index
          %swap3A_505 = arith.constant 192 : index
          %swap3A_506 = tpu.vector_load %arg9[%swap3A_504, %swap3A_505] {strides = array<i32>} : memref<64x256xf32, #tpu.memory_space<vmem>>, vector<1x16xf32>,
          %swap3A_507 = vector.shape_cast %swap3A_506 : vector<1x16xf32> to vector<16xf32>
          %swap3A_508 = vector.shape_cast %add3A_503 : vector<16xf32> to vector<1x16xf32>
          tpu.vector_store %arg9[%swap3A_504, %swap3A_505], %swap3A_508 {strides = array<i32>} : memref<64x256xf32, #tpu.memory_space<vmem>>, vector<1x16xf32>,
          %get3A_509 = arith.constant 0 : i32
          %get3A_510 = arith.index_cast %get3A_509 : i32 to index
          %get3A_511 = arith.index_cast %add3A_145 : i32 to index
          %get3A_512 = arith.constant 208 : index
          %get3A_513 = tpu.vector_load %arg8[%get3A_510, %get3A_511, %get3A_512] {strides = array<i32>} : memref<3x64x256xf32, #tpu.memory_space<vmem>>, vector<1x1x16xf32>,
          %get3A_514 = vector.shape_cast %get3A_513 : vector<1x1x16xf32> to vector<16xf32>
          %mul3A_515 = arith.mulf %gather3A_122, %get3A_514 : vector<16xf32>
          %get3A_516 = arith.constant 1 : i32
          %get3A_517 = arith.index_cast %get3A_516 : i32 to index
          %get3A_518 = arith.index_cast %add3A_145 : i32 to index
          %get3A_519 = arith.constant 208 : index
          %get3A_520 = tpu.vector_load %arg8[%get3A_517, %get3A_518, %get3A_519] {strides = array<i32>} : memref<3x64x256xf32, #tpu.memory_space<vmem>>, vector<1x1x16xf32>,
          %get3A_521 = vector.shape_cast %get3A_520 : vector<1x1x16xf32> to vector<16xf32>
          %mul3A_522 = arith.mulf %gather3A_132, %get3A_521 : vector<16xf32>
          %add3A_523 = arith.addf %mul3A_515, %mul3A_522 : vector<16xf32>
          %get3A_524 = arith.constant 2 : i32
          %get3A_525 = arith.index_cast %get3A_524 : i32 to index
          %get3A_526 = arith.index_cast %add3A_145 : i32 to index
          %get3A_527 = arith.constant 208 : index
          %get3A_528 = tpu.vector_load %arg8[%get3A_525, %get3A_526, %get3A_527] {strides = array<i32>} : memref<3x64x256xf32, #tpu.memory_space<vmem>>, vector<1x1x16xf32>,
          %get3A_529 = vector.shape_cast %get3A_528 : vector<1x1x16xf32> to vector<16xf32>
          %mul3A_530 = arith.mulf %gather3A_142, %get3A_529 : vector<16xf32>
          %add3A_531 = arith.addf %add3A_523, %mul3A_530 : vector<16xf32>
          %swap3A_532 = arith.index_cast %add3A_145 : i32 to index
          %swap3A_533 = arith.constant 208 : index
          %swap3A_534 = tpu.vector_load %arg9[%swap3A_532, %swap3A_533] {strides = array<i32>} : memref<64x256xf32, #tpu.memory_space<vmem>>, vector<1x16xf32>,
          %swap3A_535 = vector.shape_cast %swap3A_534 : vector<1x16xf32> to vector<16xf32>
          %swap3A_536 = vector.shape_cast %add3A_531 : vector<16xf32> to vector<1x16xf32>
          tpu.vector_store %arg9[%swap3A_532, %swap3A_533], %swap3A_536 {strides = array<i32>} : memref<64x256xf32, #tpu.memory_space<vmem>>, vector<1x16xf32>,
          %get3A_537 = arith.constant 0 : i32
          %get3A_538 = arith.index_cast %get3A_537 : i32 to index
          %get3A_539 = arith.index_cast %add3A_145 : i32 to index
          %get3A_540 = arith.constant 224 : index
          %get3A_541 = tpu.vector_load %arg8[%get3A_538, %get3A_539, %get3A_540] {strides = array<i32>} : memref<3x64x256xf32, #tpu.memory_space<vmem>>, vector<1x1x16xf32>,
          %get3A_542 = vector.shape_cast %get3A_541 : vector<1x1x16xf32> to vector<16xf32>
          %mul3A_543 = arith.mulf %gather3A_122, %get3A_542 : vector<16xf32>
          %get3A_544 = arith.constant 1 : i32
          %get3A_545 = arith.index_cast %get3A_544 : i32 to index
          %get3A_546 = arith.index_cast %add3A_145 : i32 to index
          %get3A_547 = arith.constant 224 : index
          %get3A_548 = tpu.vector_load %arg8[%get3A_545, %get3A_546, %get3A_547] {strides = array<i32>} : memref<3x64x256xf32, #tpu.memory_space<vmem>>, vector<1x1x16xf32>,
          %get3A_549 = vector.shape_cast %get3A_548 : vector<1x1x16xf32> to vector<16xf32>
          %mul3A_550 = arith.mulf %gather3A_132, %get3A_549 : vector<16xf32>
          %add3A_551 = arith.addf %mul3A_543, %mul3A_550 : vector<16xf32>
          %get3A_552 = arith.constant 2 : i32
          %get3A_553 = arith.index_cast %get3A_552 : i32 to index
          %get3A_554 = arith.index_cast %add3A_145 : i32 to index
          %get3A_555 = arith.constant 224 : index
          %get3A_556 = tpu.vector_load %arg8[%get3A_553, %get3A_554, %get3A_555] {strides = array<i32>} : memref<3x64x256xf32, #tpu.memory_space<vmem>>, vector<1x1x16xf32>,
          %get3A_557 = vector.shape_cast %get3A_556 : vector<1x1x16xf32> to vector<16xf32>
          %mul3A_558 = arith.mulf %gather3A_142, %get3A_557 : vector<16xf32>
          %add3A_559 = arith.addf %add3A_551, %mul3A_558 : vector<16xf32>
          %swap3A_560 = arith.index_cast %add3A_145 : i32 to index
          %swap3A_561 = arith.constant 224 : index
          %swap3A_562 = tpu.vector_load %arg9[%swap3A_560, %swap3A_561] {strides = array<i32>} : memref<64x256xf32, #tpu.memory_space<vmem>>, vector<1x16xf32>,
          %swap3A_563 = vector.shape_cast %swap3A_562 : vector<1x16xf32> to vector<16xf32>
          %swap3A_564 = vector.shape_cast %add3A_559 : vector<16xf32> to vector<1x16xf32>
          tpu.vector_store %arg9[%swap3A_560, %swap3A_561], %swap3A_564 {strides = array<i32>} : memref<64x256xf32, #tpu.memory_space<vmem>>, vector<1x16xf32>,
          %get3A_565 = arith.constant 0 : i32
          %get3A_566 = arith.index_cast %get3A_565 : i32 to index
          %get3A_567 = arith.index_cast %add3A_145 : i32 to index
          %get3A_568 = arith.constant 240 : index
          %get3A_569 = tpu.vector_load %arg8[%get3A_566, %get3A_567, %get3A_568] {strides = array<i32>} : memref<3x64x256xf32, #tpu.memory_space<vmem>>, vector<1x1x16xf32>,
          %get3A_570 = vector.shape_cast %get3A_569 : vector<1x1x16xf32> to vector<16xf32>
          %mul3A_571 = arith.mulf %gather3A_122, %get3A_570 : vector<16xf32>
          %get3A_572 = arith.constant 1 : i32
          %get3A_573 = arith.index_cast %get3A_572 : i32 to index
          %get3A_574 = arith.index_cast %add3A_145 : i32 to index
          %get3A_575 = arith.constant 240 : index
          %get3A_576 = tpu.vector_load %arg8[%get3A_573, %get3A_574, %get3A_575] {strides = array<i32>} : memref<3x64x256xf32, #tpu.memory_space<vmem>>, vector<1x1x16xf32>,
          %get3A_577 = vector.shape_cast %get3A_576 : vector<1x1x16xf32> to vector<16xf32>
          %mul3A_578 = arith.mulf %gather3A_132, %get3A_577 : vector<16xf32>
          %add3A_579 = arith.addf %mul3A_571, %mul3A_578 : vector<16xf32>
          %get3A_580 = arith.constant 2 : i32
          %get3A_581 = arith.index_cast %get3A_580 : i32 to index
          %get3A_582 = arith.index_cast %add3A_145 : i32 to index
          %get3A_583 = arith.constant 240 : index
          %get3A_584 = tpu.vector_load %arg8[%get3A_581, %get3A_582, %get3A_583] {strides = array<i32>} : memref<3x64x256xf32, #tpu.memory_space<vmem>>, vector<1x1x16xf32>,
          %get3A_585 = vector.shape_cast %get3A_584 : vector<1x1x16xf32> to vector<16xf32>
          %mul3A_586 = arith.mulf %gather3A_142, %get3A_585 : vector<16xf32>
          %add3A_587 = arith.addf %add3A_579, %mul3A_586 : vector<16xf32>
          %swap3A_588 = arith.index_cast %add3A_145 : i32 to index
          %swap3A_589 = arith.constant 240 : index
          %swap3A_590 = tpu.vector_load %arg9[%swap3A_588, %swap3A_589] {strides = array<i32>} : memref<64x256xf32, #tpu.memory_space<vmem>>, vector<1x16xf32>,
          %swap3A_591 = vector.shape_cast %swap3A_590 : vector<1x16xf32> to vector<16xf32>
          %swap3A_592 = vector.shape_cast %add3A_587 : vector<16xf32> to vector<1x16xf32>
          tpu.vector_store %arg9[%swap3A_588, %swap3A_589], %swap3A_592 {strides = array<i32>} : memref<64x256xf32, #tpu.memory_space<vmem>>, vector<1x16xf32>,
        }
        %scan3A_111 = arith.constant 16 : i32
      }
      %scan3A_78 = arith.constant 4 : i32
      %mul3A_79 = arith.constant 1024 : i32
      %mul3A_80 = arith.muli %arg1, %mul3A_79 : i32
      %add3A = arith.addi %mul3A_80, %mul3A_0 : i32
      %add3A_81 = arith.addi %add3A, %mul3A_8 : i32
      "tpu.region"() ({
        %run_scoped3A = tpu.sem_alloc : memref<!tpu.dma_semaphore, #tpu.memory_space<semaphore_mem>>
        %dma_start3A_82 = arith.constant 0 : i32
        %dma_start3A_83 = tpu.memref_slice %arg5[%add3A_81, %dma_start3A_82] : memref<16384x256xf32, #tpu.memory_space<hbm>> -> memref<64x256xf32, #tpu.memory_space<hbm>>
        %dma_start3A_84 = arith.constant 0 : i32
        %dma_start3A_85 = tpu.memref_slice %arg5[%add3A_81, %dma_start3A_84] : memref<16384x256xf32, #tpu.memory_space<hbm>> -> memref<64x256xf32, #tpu.memory_space<hbm>>
        tpu.enqueue_dma source(%arg9 : memref<64x256xf32, #tpu.memory_space<vmem>>) target(%dma_start3A_85 : memref<64x256xf32, #tpu.memory_space<hbm>>) target_semaphore(%run_scoped3A : memref<!tpu.dma_semaphore, #tpu.memory_space<semaphore_mem>>)
        %dma_wait3A_86 = arith.constant 0 : i32
        %dma_wait3A_87 = tpu.memref_slice %arg5[%add3A_81, %dma_wait3A_86] : memref<16384x256xf32, #tpu.memory_space<hbm>> -> memref<64x256xf32, #tpu.memory_space<hbm>>
        %dma_wait3A_88 = arith.constant 0 : i32
        %dma_wait3A_89 = tpu.memref_slice %arg5[%add3A_81, %dma_wait3A_88] : memref<16384x256xf32, #tpu.memory_space<hbm>> -> memref<64x256xf32, #tpu.memory_space<hbm>>
        tpu.wait_dma2 semaphore(%run_scoped3A : memref<!tpu.dma_semaphore, #tpu.memory_space<semaphore_mem>>) src(%arg9 : memref<64x256xf32, #tpu.memory_space<vmem>>) dst(%dma_wait3A_89 : memref<64x256xf32, #tpu.memory_space<hbm>>)
        tpu.yield
      }) : () -> ()
    }
    %scan3A_5 = arith.constant 8 : i32
    return
  }
}

module attributes {stable_mosaic.version = 14 : i64} {
  func.func @_k1a_body(%arg0: i32, %arg1: memref<1x8x1024xf32, #tpu.memory_space<vmem>>, %arg2: memref<1x256x8xf32, #tpu.memory_space<vmem>>, %arg3: memref<1x3x1024xi32, #tpu.memory_space<vmem>>, %arg4: memref<1x3x1024xf32, #tpu.memory_space<vmem>>) attributes {dimension_semantics = [#tpu.dimension_semantics<arbitrary>], iteration_bounds = array<i64: 16>, scalar_prefetch = 0 : i64, scratch_operands = 0 : i64, tpu.core_type = #tpu.core_type<tc>, window_params = [{transform_indices = @transform_0, window_bounds = array<i64: 1, 8, 1024>}, {transform_indices = @transform_1, window_bounds = array<i64: 1, 256, 8>}, {transform_indices = @transform_2, window_bounds = array<i64: 1, 3, 1024>}, {transform_indices = @transform_3, window_bounds = array<i64: 1, 3, 1024>}]} {
    %get3A = arith.constant 0 : index
    %get3A_0 = arith.constant 0 : index
    %get3A_1 = arith.constant 0 : index
    %get3A_2 = vector.load %arg1[%get3A, %get3A_0, %get3A_1] : memref<1x8x1024xf32, #tpu.memory_space<vmem>>, vector<1x8x1024xf32>
    %get3A_3 = vector.shape_cast %get3A_2 : vector<1x8x1024xf32> to vector<8x1024xf32>
    %get3A_4 = arith.constant 0 : index
    %get3A_5 = arith.constant 0 : index
    %get3A_6 = arith.constant 0 : index
    %get3A_7 = vector.load %arg2[%get3A_4, %get3A_5, %get3A_6] : memref<1x256x8xf32, #tpu.memory_space<vmem>>, vector<1x256x8xf32>
    %get3A_8 = vector.shape_cast %get3A_7 : vector<1x256x8xf32> to vector<256x8xf32>
    %mul3A = arith.mulf %get3A_3, %get3A_3 : vector<8x1024xf32>
    %reduce_sum3A = arith.constant dense<0.000000e+00> : vector<1024xf32>
    %reduce_sum3A_9 = vector.multi_reduction <add>, %mul3A, %reduce_sum3A [0] : vector<8x1024xf32> to vector<1024xf32>
    %broadcast_in_dim3A = vector.shape_cast %reduce_sum3A_9 : vector<1024xf32> to vector<1x1024xf32>
    %mul3A_10 = arith.mulf %get3A_8, %get3A_8 : vector<256x8xf32>
    %reduce_sum3A_11 = arith.constant dense<0.000000e+00> : vector<256xf32>
    %reduce_sum3A_12 = vector.multi_reduction <add>, %mul3A_10, %reduce_sum3A_11 [1] : vector<256x8xf32> to vector<256xf32>
    %broadcast_in_dim3A_13 = vector.shape_cast %reduce_sum3A_12 : vector<256xf32> to vector<256x1xf32>
    %dot_general3A = arith.constant dense<0.000000e+00> : vector<256x1024xf32>
    %dot_general3A_14 = tpu.matmul %get3A_8, %get3A_3, %dot_general3A {dimension_numbers = #tpu.dot_dimension_numbers<[1], [0], [0], [1], [0, 0, 1, 1], [], []>, transpose_lhs_hint = false} : vector<256x8xf32>, vector<8x1024xf32>, vector<256x1024xf32> -> vector<256x1024xf32>
    %add3A = vector.broadcast %broadcast_in_dim3A_13 : vector<256x1xf32> to vector<256x1024xf32>
    %add3A_15 = vector.broadcast %broadcast_in_dim3A : vector<1x1024xf32> to vector<256x1024xf32>
    %add3A_16 = arith.addf %add3A, %add3A_15 : vector<256x1024xf32>
    %mul3A_17 = arith.constant 2.000000e+00 : f32
    %mul3A_18 = vector.broadcast %mul3A_17 : f32 to vector<256x1024xf32>
    %mul3A_19 = arith.mulf %mul3A_18, %dot_general3A_14 : vector<256x1024xf32>
    %sub3A = arith.subf %add3A_16, %mul3A_19 : vector<256x1024xf32>
    %max3A = arith.constant 0.000000e+00 : f32
    %max3A_20 = vector.broadcast %max3A : f32 to vector<256x1024xf32>
    %max3A_21 = arith.maximumf %sub3A, %max3A_20 : vector<256x1024xf32>
    %iota3A = tpu.iota {dimensions = array<i32: 0>} : vector<256x1024xi32>
    %convert_element_type3A = arith.sitofp %iota3A : vector<256x1024xi32> to vector<256x1024xf32>
    %broadcast_in_dim3A_22 = arith.constant 0.000000e+00 : f32
    %broadcast_in_dim3A_23 = vector.broadcast %broadcast_in_dim3A_22 : f32 to vector<1x1024xf32>
    %reduce_min3A = arith.constant dense<0x7F800000> : vector<1024xf32>
    %reduce_min3A_24 = vector.multi_reduction <minimumf>, %max3A_21, %reduce_min3A [0] : vector<256x1024xf32> to vector<1024xf32>
    %broadcast_in_dim3A_25 = vector.shape_cast %reduce_min3A_24 : vector<1024xf32> to vector<1x1024xf32>
    %eq3A = vector.broadcast %broadcast_in_dim3A_25 : vector<1x1024xf32> to vector<256x1024xf32>
    %eq3A_26 = arith.cmpf oeq, %max3A_21, %eq3A : vector<256x1024xf32>
    %jit3A = arith.constant 3.400000e+38 : f32
    %broadcast_in_dim3A_27 = vector.broadcast %jit3A : f32 to vector<256x1024xf32>
    %select_n3A = arith.select %eq3A_26, %convert_element_type3A, %broadcast_in_dim3A_27 : vector<256x1024xi1>, vector<256x1024xf32>
    %reduce_min3A_28 = arith.constant dense<0x7F800000> : vector<1024xf32>
    %reduce_min3A_29 = vector.multi_reduction <minimumf>, %select_n3A, %reduce_min3A_28 [0] : vector<256x1024xf32> to vector<1024xf32>
    %broadcast_in_dim3A_30 = vector.shape_cast %reduce_min3A_29 : vector<1024xf32> to vector<1x1024xf32>
    %eq3A_31 = vector.broadcast %broadcast_in_dim3A_30 : vector<1x1024xf32> to vector<256x1024xf32>
    %eq3A_32 = arith.cmpf oeq, %convert_element_type3A, %eq3A_31 : vector<256x1024xf32>
    %add3A_33 = arith.constant 9.99999993E-9 : f32
    %add3A_34 = vector.broadcast %add3A_33 : f32 to vector<1x1024xf32>
    %add3A_35 = arith.addf %broadcast_in_dim3A_25, %add3A_34 : vector<1x1024xf32>
    %div3A = arith.constant 1.000000e+00 : f32
    %div3A_36 = vector.broadcast %div3A : f32 to vector<1x1024xf32>
    %div3A_37 = arith.divf %div3A_36, %add3A_35 : vector<1x1024xf32>
    %add3A_38 = arith.addf %broadcast_in_dim3A_23, %div3A_37 : vector<1x1024xf32>
    %jit3A_39 = arith.constant 3.400000e+38 : f32
    %broadcast_in_dim3A_40 = vector.broadcast %jit3A_39 : f32 to vector<256x1024xf32>
    %select_n3A_41 = arith.select %eq3A_32, %broadcast_in_dim3A_40, %max3A_21 : vector<256x1024xi1>, vector<256x1024xf32>
    %reduce_min3A_42 = arith.constant dense<0x7F800000> : vector<1024xf32>
    %reduce_min3A_43 = vector.multi_reduction <minimumf>, %select_n3A_41, %reduce_min3A_42 [0] : vector<256x1024xf32> to vector<1024xf32>
    %broadcast_in_dim3A_44 = vector.shape_cast %reduce_min3A_43 : vector<1024xf32> to vector<1x1024xf32>
    %eq3A_45 = vector.broadcast %broadcast_in_dim3A_44 : vector<1x1024xf32> to vector<256x1024xf32>
    %eq3A_46 = arith.cmpf oeq, %select_n3A_41, %eq3A_45 : vector<256x1024xf32>
    %jit3A_47 = arith.constant 3.400000e+38 : f32
    %broadcast_in_dim3A_48 = vector.broadcast %jit3A_47 : f32 to vector<256x1024xf32>
    %select_n3A_49 = arith.select %eq3A_46, %convert_element_type3A, %broadcast_in_dim3A_48 : vector<256x1024xi1>, vector<256x1024xf32>
    %reduce_min3A_50 = arith.constant dense<0x7F800000> : vector<1024xf32>
    %reduce_min3A_51 = vector.multi_reduction <minimumf>, %select_n3A_49, %reduce_min3A_50 [0] : vector<256x1024xf32> to vector<1024xf32>
    %broadcast_in_dim3A_52 = vector.shape_cast %reduce_min3A_51 : vector<1024xf32> to vector<1x1024xf32>
    %eq3A_53 = vector.broadcast %broadcast_in_dim3A_52 : vector<1x1024xf32> to vector<256x1024xf32>
    %eq3A_54 = arith.cmpf oeq, %convert_element_type3A, %eq3A_53 : vector<256x1024xf32>
    %add3A_55 = arith.constant 9.99999993E-9 : f32
    %add3A_56 = vector.broadcast %add3A_55 : f32 to vector<1x1024xf32>
    %add3A_57 = arith.addf %broadcast_in_dim3A_44, %add3A_56 : vector<1x1024xf32>
    %div3A_58 = arith.constant 1.000000e+00 : f32
    %div3A_59 = vector.broadcast %div3A_58 : f32 to vector<1x1024xf32>
    %div3A_60 = arith.divf %div3A_59, %add3A_57 : vector<1x1024xf32>
    %add3A_61 = arith.addf %add3A_38, %div3A_60 : vector<1x1024xf32>
    %jit3A_62 = arith.constant 3.400000e+38 : f32
    %broadcast_in_dim3A_63 = vector.broadcast %jit3A_62 : f32 to vector<256x1024xf32>
    %select_n3A_64 = arith.select %eq3A_54, %broadcast_in_dim3A_63, %select_n3A_41 : vector<256x1024xi1>, vector<256x1024xf32>
    %reduce_min3A_65 = arith.constant dense<0x7F800000> : vector<1024xf32>
    %reduce_min3A_66 = vector.multi_reduction <minimumf>, %select_n3A_64, %reduce_min3A_65 [0] : vector<256x1024xf32> to vector<1024xf32>
    %broadcast_in_dim3A_67 = vector.shape_cast %reduce_min3A_66 : vector<1024xf32> to vector<1x1024xf32>
    %eq3A_68 = vector.broadcast %broadcast_in_dim3A_67 : vector<1x1024xf32> to vector<256x1024xf32>
    %eq3A_69 = arith.cmpf oeq, %select_n3A_64, %eq3A_68 : vector<256x1024xf32>
    %jit3A_70 = arith.constant 3.400000e+38 : f32
    %broadcast_in_dim3A_71 = vector.broadcast %jit3A_70 : f32 to vector<256x1024xf32>
    %select_n3A_72 = arith.select %eq3A_69, %convert_element_type3A, %broadcast_in_dim3A_71 : vector<256x1024xi1>, vector<256x1024xf32>
    %reduce_min3A_73 = arith.constant dense<0x7F800000> : vector<1024xf32>
    %reduce_min3A_74 = vector.multi_reduction <minimumf>, %select_n3A_72, %reduce_min3A_73 [0] : vector<256x1024xf32> to vector<1024xf32>
    %broadcast_in_dim3A_75 = vector.shape_cast %reduce_min3A_74 : vector<1024xf32> to vector<1x1024xf32>
    %add3A_76 = arith.constant 9.99999993E-9 : f32
    %add3A_77 = vector.broadcast %add3A_76 : f32 to vector<1x1024xf32>
    %add3A_78 = arith.addf %broadcast_in_dim3A_67, %add3A_77 : vector<1x1024xf32>
    %div3A_79 = arith.constant 1.000000e+00 : f32
    %div3A_80 = vector.broadcast %div3A_79 : f32 to vector<1x1024xf32>
    %div3A_81 = arith.divf %div3A_80, %add3A_78 : vector<1x1024xf32>
    %add3A_82 = arith.addf %add3A_61, %div3A_81 : vector<1x1024xf32>
    %div3A_83 = arith.constant 1.000000e+00 : f32
    %div3A_84 = vector.broadcast %div3A_83 : f32 to vector<1x1024xf32>
    %div3A_85 = arith.divf %div3A_84, %add3A_82 : vector<1x1024xf32>
    %mul3A_86 = arith.constant 256 : i32
    %mul3A_87 = arith.muli %arg0, %mul3A_86 : i32
    %convert_element_type3A_88 = arith.sitofp %mul3A_87 : i32 to f32
    %add3A_89 = vector.broadcast %convert_element_type3A_88 : f32 to vector<1x1024xf32>
    %add3A_90 = arith.addf %broadcast_in_dim3A_30, %add3A_89 : vector<1x1024xf32>
    %add3A_91 = vector.broadcast %convert_element_type3A_88 : f32 to vector<1x1024xf32>
    %add3A_92 = arith.addf %broadcast_in_dim3A_52, %add3A_91 : vector<1x1024xf32>
    %add3A_93 = vector.broadcast %convert_element_type3A_88 : f32 to vector<1x1024xf32>
    %add3A_94 = arith.addf %broadcast_in_dim3A_75, %add3A_93 : vector<1x1024xf32>
    %concatenate3A = tpu.concatenate %add3A_90, %add3A_92, %add3A_94 in 0 : vector<1x1024xf32>, vector<1x1024xf32>, vector<1x1024xf32> -> vector<3x1024xf32>
    %convert_element_type3A_95 = arith.fptosi %concatenate3A : vector<3x1024xf32> to vector<3x1024xi32>
    %swap3A = arith.constant 0 : index
    %swap3A_96 = arith.constant 0 : index
    %swap3A_97 = arith.constant 0 : index
    %swap3A_98 = vector.load %arg3[%swap3A, %swap3A_96, %swap3A_97] : memref<1x3x1024xi32, #tpu.memory_space<vmem>>, vector<1x3x1024xi32>
    %swap3A_99 = vector.shape_cast %swap3A_98 : vector<1x3x1024xi32> to vector<3x1024xi32>
    %swap3A_100 = vector.shape_cast %convert_element_type3A_95 : vector<3x1024xi32> to vector<1x3x1024xi32>
    tpu.vector_store %arg3[%swap3A, %swap3A_96, %swap3A_97], %swap3A_100 {strides = array<i32>} : memref<1x3x1024xi32, #tpu.memory_space<vmem>>, vector<1x3x1024xi32>,
    %mul3A_101 = arith.mulf %div3A_37, %div3A_85 : vector<1x1024xf32>
    %mul3A_102 = arith.mulf %div3A_60, %div3A_85 : vector<1x1024xf32>
    %mul3A_103 = arith.mulf %div3A_81, %div3A_85 : vector<1x1024xf32>
    %concatenate3A_104 = tpu.concatenate %mul3A_101, %mul3A_102, %mul3A_103 in 0 : vector<1x1024xf32>, vector<1x1024xf32>, vector<1x1024xf32> -> vector<3x1024xf32>
    %swap3A_105 = arith.constant 0 : index
    %swap3A_106 = arith.constant 0 : index
    %swap3A_107 = arith.constant 0 : index
    %swap3A_108 = vector.load %arg4[%swap3A_105, %swap3A_106, %swap3A_107] : memref<1x3x1024xf32, #tpu.memory_space<vmem>>, vector<1x3x1024xf32>
    %swap3A_109 = vector.shape_cast %swap3A_108 : vector<1x3x1024xf32> to vector<3x1024xf32>
    %swap3A_110 = vector.shape_cast %concatenate3A_104 : vector<3x1024xf32> to vector<1x3x1024xf32>
    tpu.vector_store %arg4[%swap3A_105, %swap3A_106, %swap3A_107], %swap3A_110 {strides = array<i32>} : memref<1x3x1024xf32, #tpu.memory_space<vmem>>, vector<1x3x1024xf32>,
    return
  }
  func.func @transform_0(%arg0: i32) -> (i32, i32, i32) {
    %c0_i32 = arith.constant 0 : i32
    %c0_i32_0 = arith.constant 0 : i32
    %c0_i32_1 = arith.constant 0 : i32
    return %arg0, %c0_i32, %c0_i32_0 : i32, i32, i32
  }
  func.func @transform_1(%arg0: i32) -> (i32, i32, i32) {
    %c0_i32 = arith.constant 0 : i32
    %c0_i32_0 = arith.constant 0 : i32
    %c0_i32_1 = arith.constant 0 : i32
    return %arg0, %c0_i32, %c0_i32_0 : i32, i32, i32
  }
  func.func @transform_2(%arg0: i32) -> (i32, i32, i32) {
    %c0_i32 = arith.constant 0 : i32
    %c0_i32_0 = arith.constant 0 : i32
    %c0_i32_1 = arith.constant 0 : i32
    return %arg0, %c0_i32, %c0_i32_0 : i32, i32, i32
  }
  func.func @transform_3(%arg0: i32) -> (i32, i32, i32) {
    %c0_i32 = arith.constant 0 : i32
    %c0_i32_0 = arith.constant 0 : i32
    %c0_i32_1 = arith.constant 0 : i32
    return %arg0, %c0_i32, %c0_i32_0 : i32, i32, i32
  }
}

module attributes {stable_mosaic.version = 14 : i64} {
  func.func @_k1b_body(%arg0: i32, %arg1: memref<1x1024x256xf32, #tpu.memory_space<vmem>>, %arg2: memref<1024x256xf32, #tpu.memory_space<vmem>>, %arg3: memref<256x256xf32, #tpu.memory_space<vmem>>, %arg4: memref<256x256xf32, #tpu.memory_space<vmem>>, %arg5: memref<1x256xf32, #tpu.memory_space<vmem>>, %arg6: memref<1x1024x256xf32, #tpu.memory_space<vmem>>, %arg7: memref<2x256xf32, #tpu.memory_space<vmem>>) attributes {dimension_semantics = [#tpu.dimension_semantics<arbitrary>], iteration_bounds = array<i64: 16>, scalar_prefetch = 0 : i64, scratch_operands = 0 : i64, tpu.core_type = #tpu.core_type<tc>, window_params = [{transform_indices = @transform_0, window_bounds = array<i64: 1, 1024, 256>}, {transform_indices = @transform_1, window_bounds = array<i64: 1024, 256>}, {pipeline_mode = #tpu.pipeline_mode<synchronous>, transform_indices = @transform_2, window_bounds = array<i64: 256, 256>}, {pipeline_mode = #tpu.pipeline_mode<synchronous>, transform_indices = @transform_3, window_bounds = array<i64: 256, 256>}, {pipeline_mode = #tpu.pipeline_mode<synchronous>, transform_indices = @transform_4, window_bounds = array<i64: 1, 256>}, {transform_indices = @transform_5, window_bounds = array<i64: 1, 1024, 256>}, {pipeline_mode = #tpu.pipeline_mode<synchronous>, transform_indices = @transform_6, window_bounds = array<i64: 2, 256>}]} {
    %get3A = arith.constant 0 : index
    %get3A_0 = arith.constant 0 : index
    %get3A_1 = arith.constant 0 : index
    %get3A_2 = vector.load %arg1[%get3A, %get3A_0, %get3A_1] : memref<1x1024x256xf32, #tpu.memory_space<vmem>>, vector<1x1024x256xf32>
    %get3A_3 = vector.shape_cast %get3A_2 : vector<1x1024x256xf32> to vector<1024x256xf32>
    %get3A_4 = arith.constant 0 : index
    %get3A_5 = arith.constant 0 : index
    %get3A_6 = vector.load %arg3[%get3A_4, %get3A_5] : memref<256x256xf32, #tpu.memory_space<vmem>>, vector<256x256xf32>
    %dot_general3A = arith.constant dense<0.000000e+00> : vector<1024x256xf32>
    %dot_general3A_7 = tpu.matmul %get3A_3, %get3A_6, %dot_general3A {dimension_numbers = #tpu.dot_dimension_numbers<[1], [0], [0], [1], [0, 0, 1, 1], [], []>, transpose_lhs_hint = false} : vector<1024x256xf32>, vector<256x256xf32>, vector<1024x256xf32> -> vector<1024x256xf32>
    %get3A_8 = arith.constant 0 : index
    %get3A_9 = arith.constant 0 : index
    %get3A_10 = vector.load %arg2[%get3A_8, %get3A_9] : memref<1024x256xf32, #tpu.memory_space<vmem>>, vector<1024x256xf32>
    %get3A_11 = arith.constant 0 : index
    %get3A_12 = arith.constant 0 : index
    %get3A_13 = vector.load %arg4[%get3A_11, %get3A_12] : memref<256x256xf32, #tpu.memory_space<vmem>>, vector<256x256xf32>
    %dot_general3A_14 = arith.constant dense<0.000000e+00> : vector<1024x256xf32>
    %dot_general3A_15 = tpu.matmul %get3A_10, %get3A_13, %dot_general3A_14 {dimension_numbers = #tpu.dot_dimension_numbers<[1], [0], [0], [1], [0, 0, 1, 1], [], []>, transpose_lhs_hint = false} : vector<1024x256xf32>, vector<256x256xf32>, vector<1024x256xf32> -> vector<1024x256xf32>
    %add3A = arith.addf %dot_general3A_7, %dot_general3A_15 : vector<1024x256xf32>
    %get3A_16 = arith.constant 0 : index
    %get3A_17 = arith.constant 0 : index
    %get3A_18 = vector.load %arg5[%get3A_16, %get3A_17] : memref<1x256xf32, #tpu.memory_space<vmem>>, vector<1x256xf32>
    %add3A_19 = vector.broadcast %get3A_18 : vector<1x256xf32> to vector<1024x256xf32>
    %add3A_20 = arith.addf %add3A, %add3A_19 : vector<1024x256xf32>
    %swap3A = arith.constant 0 : index
    %swap3A_21 = arith.constant 0 : index
    %swap3A_22 = arith.constant 0 : index
    %swap3A_23 = vector.load %arg6[%swap3A, %swap3A_21, %swap3A_22] : memref<1x1024x256xf32, #tpu.memory_space<vmem>>, vector<1x1024x256xf32>
    %swap3A_24 = vector.shape_cast %swap3A_23 : vector<1x1024x256xf32> to vector<1024x256xf32>
    %swap3A_25 = vector.shape_cast %add3A_20 : vector<1024x256xf32> to vector<1x1024x256xf32>
    tpu.vector_store %arg6[%swap3A, %swap3A_21, %swap3A_22], %swap3A_25 {strides = array<i32>} : memref<1x1024x256xf32, #tpu.memory_space<vmem>>, vector<1x1024x256xf32>,
    %eq3A = arith.constant 0 : i32
    %eq3A_26 = arith.cmpi eq, %arg0, %eq3A : i32
    %convert_element_type3A = arith.extui %eq3A_26 : i1 to i32
    %cond3A = arith.constant 0 : i32
    %cond3A_27 = arith.cmpi ne, %convert_element_type3A, %cond3A : i32
    scf.if %cond3A_27 {
      %broadcast_in_dim3A_39 = arith.constant 0.000000e+00 : f32
      %broadcast_in_dim3A_40 = vector.broadcast %broadcast_in_dim3A_39 : f32 to vector<2x256xf32>
      %swap3A_41 = arith.constant 0 : index
      %swap3A_42 = arith.constant 0 : index
      %swap3A_43 = vector.load %arg7[%swap3A_41, %swap3A_42] : memref<2x256xf32, #tpu.memory_space<vmem>>, vector<2x256xf32>
      tpu.vector_store %arg7[%swap3A_41, %swap3A_42], %broadcast_in_dim3A_40 {strides = array<i32>} : memref<2x256xf32, #tpu.memory_space<vmem>>, vector<2x256xf32>,
    } else {
    }
    %get3A_28 = arith.constant 0 : index
    %get3A_29 = arith.constant 0 : index
    %get3A_30 = vector.load %arg7[%get3A_28, %get3A_29] : memref<2x256xf32, #tpu.memory_space<vmem>>, vector<2x256xf32>
    %reduce_sum3A = arith.constant dense<0.000000e+00> : vector<256xf32>
    %reduce_sum3A_31 = vector.multi_reduction <add>, %add3A_20, %reduce_sum3A [0] : vector<1024x256xf32> to vector<256xf32>
    %broadcast_in_dim3A = vector.shape_cast %reduce_sum3A_31 : vector<256xf32> to vector<1x256xf32>
    %mul3A = arith.mulf %add3A_20, %add3A_20 : vector<1024x256xf32>
    %reduce_sum3A_32 = arith.constant dense<0.000000e+00> : vector<256xf32>
    %reduce_sum3A_33 = vector.multi_reduction <add>, %mul3A, %reduce_sum3A_32 [0] : vector<1024x256xf32> to vector<256xf32>
    %broadcast_in_dim3A_34 = vector.shape_cast %reduce_sum3A_33 : vector<256xf32> to vector<1x256xf32>
    %concatenate3A = tpu.concatenate %broadcast_in_dim3A, %broadcast_in_dim3A_34 in 0 : vector<1x256xf32>, vector<1x256xf32> -> vector<2x256xf32>
    %add3A_35 = arith.addf %get3A_30, %concatenate3A : vector<2x256xf32>
    %swap3A_36 = arith.constant 0 : index
    %swap3A_37 = arith.constant 0 : index
    %swap3A_38 = vector.load %arg7[%swap3A_36, %swap3A_37] : memref<2x256xf32, #tpu.memory_space<vmem>>, vector<2x256xf32>
    tpu.vector_store %arg7[%swap3A_36, %swap3A_37], %add3A_35 {strides = array<i32>} : memref<2x256xf32, #tpu.memory_space<vmem>>, vector<2x256xf32>,
    return
  }
  func.func @transform_0(%arg0: i32) -> (i32, i32, i32) {
    %c0_i32 = arith.constant 0 : i32
    %c0_i32_0 = arith.constant 0 : i32
    %c0_i32_1 = arith.constant 0 : i32
    return %arg0, %c0_i32, %c0_i32_0 : i32, i32, i32
  }
  func.func @transform_1(%arg0: i32) -> (i32, i32) {
    %c0_i32 = arith.constant 0 : i32
    %c0_i32_0 = arith.constant 0 : i32
    return %arg0, %c0_i32 : i32, i32
  }
  func.func @transform_2(%arg0: i32) -> (i32, i32) {
    %c0_i32 = arith.constant 0 : i32
    %c0_i32_0 = arith.constant 0 : i32
    %c0_i32_1 = arith.constant 0 : i32
    return %c0_i32, %c0_i32_0 : i32, i32
  }
  func.func @transform_3(%arg0: i32) -> (i32, i32) {
    %c0_i32 = arith.constant 0 : i32
    %c0_i32_0 = arith.constant 0 : i32
    %c0_i32_1 = arith.constant 0 : i32
    return %c0_i32, %c0_i32_0 : i32, i32
  }
  func.func @transform_4(%arg0: i32) -> (i32, i32) {
    %c0_i32 = arith.constant 0 : i32
    %c0_i32_0 = arith.constant 0 : i32
    %c0_i32_1 = arith.constant 0 : i32
    return %c0_i32, %c0_i32_0 : i32, i32
  }
  func.func @transform_5(%arg0: i32) -> (i32, i32, i32) {
    %c0_i32 = arith.constant 0 : i32
    %c0_i32_0 = arith.constant 0 : i32
    %c0_i32_1 = arith.constant 0 : i32
    return %arg0, %c0_i32, %c0_i32_0 : i32, i32, i32
  }
  func.func @transform_6(%arg0: i32) -> (i32, i32) {
    %c0_i32 = arith.constant 0 : i32
    %c0_i32_0 = arith.constant 0 : i32
    %c0_i32_1 = arith.constant 0 : i32
    return %c0_i32, %c0_i32_0 : i32, i32
  }
}

module attributes {stable_mosaic.version = 14 : i64} {
  func.func @_k2_body(%arg0: i32, %arg1: memref<2048x256xf32, #tpu.memory_space<vmem>>, %arg2: memref<2x256xf32, #tpu.memory_space<vmem>>, %arg3: memref<256x256xf32, #tpu.memory_space<vmem>>, %arg4: memref<1x256xf32, #tpu.memory_space<vmem>>, %arg5: memref<1x256xf32, #tpu.memory_space<vmem>>, %arg6: memref<1x256xf32, #tpu.memory_space<vmem>>, %arg7: memref<2048x256xf32, #tpu.memory_space<vmem>>, %arg8: memref<2x256xf32, #tpu.memory_space<vmem>>) attributes {dimension_semantics = [#tpu.dimension_semantics<arbitrary>], iteration_bounds = array<i64: 8>, scalar_prefetch = 0 : i64, scratch_operands = 0 : i64, tpu.core_type = #tpu.core_type<tc>, window_params = [{transform_indices = @transform_0, window_bounds = array<i64: 2048, 256>}, {pipeline_mode = #tpu.pipeline_mode<synchronous>, transform_indices = @transform_1, window_bounds = array<i64: 2, 256>}, {pipeline_mode = #tpu.pipeline_mode<synchronous>, transform_indices = @transform_2, window_bounds = array<i64: 256, 256>}, {pipeline_mode = #tpu.pipeline_mode<synchronous>, transform_indices = @transform_3, window_bounds = array<i64: 1, 256>}, {pipeline_mode = #tpu.pipeline_mode<synchronous>, transform_indices = @transform_4, window_bounds = array<i64: 1, 256>}, {pipeline_mode = #tpu.pipeline_mode<synchronous>, transform_indices = @transform_5, window_bounds = array<i64: 1, 256>}, {transform_indices = @transform_6, window_bounds = array<i64: 2048, 256>}, {pipeline_mode = #tpu.pipeline_mode<synchronous>, transform_indices = @transform_7, window_bounds = array<i64: 2, 256>}]} {
    %get3A = arith.constant 0 : index
    %get3A_0 = arith.constant 0 : index
    %get3A_1 = vector.load %arg2[%get3A, %get3A_0] : memref<2x256xf32, #tpu.memory_space<vmem>>, vector<1x256xf32>
    %mul3A = arith.constant 6.10351563E-5 : f32
    %mul3A_2 = vector.broadcast %mul3A : f32 to vector<1x256xf32>
    %mul3A_3 = arith.mulf %get3A_1, %mul3A_2 : vector<1x256xf32>
    %get3A_4 = arith.constant 1 : index
    %get3A_5 = arith.constant 0 : index
    %get3A_6 = vector.load %arg2[%get3A_4, %get3A_5] : memref<2x256xf32, #tpu.memory_space<vmem>>, vector<1x256xf32>
    %mul3A_7 = arith.constant 6.10351563E-5 : f32
    %mul3A_8 = vector.broadcast %mul3A_7 : f32 to vector<1x256xf32>
    %mul3A_9 = arith.mulf %get3A_6, %mul3A_8 : vector<1x256xf32>
    %mul3A_10 = arith.mulf %mul3A_3, %mul3A_3 : vector<1x256xf32>
    %sub3A = arith.subf %mul3A_9, %mul3A_10 : vector<1x256xf32>
    %get3A_11 = arith.constant 0 : index
    %get3A_12 = arith.constant 0 : index
    %get3A_13 = vector.load %arg5[%get3A_11, %get3A_12] : memref<1x256xf32, #tpu.memory_space<vmem>>, vector<1x256xf32>
    %add3A = arith.constant 9.99999974E-6 : f32
    %add3A_14 = vector.broadcast %add3A : f32 to vector<1x256xf32>
    %add3A_15 = arith.addf %sub3A, %add3A_14 : vector<1x256xf32>
    %rsqrt3A = math.rsqrt %add3A_15 : vector<1x256xf32>
    %mul3A_16 = arith.mulf %get3A_13, %rsqrt3A : vector<1x256xf32>
    %get3A_17 = arith.constant 0 : index
    %get3A_18 = arith.constant 0 : index
    %get3A_19 = vector.load %arg6[%get3A_17, %get3A_18] : memref<1x256xf32, #tpu.memory_space<vmem>>, vector<1x256xf32>
    %mul3A_20 = arith.mulf %mul3A_3, %mul3A_16 : vector<1x256xf32>
    %sub3A_21 = arith.subf %get3A_19, %mul3A_20 : vector<1x256xf32>
    %get3A_22 = arith.constant 0 : index
    %get3A_23 = arith.constant 0 : index
    %get3A_24 = vector.load %arg1[%get3A_22, %get3A_23] : memref<2048x256xf32, #tpu.memory_space<vmem>>, vector<2048x256xf32>
    %mul3A_25 = vector.broadcast %mul3A_16 : vector<1x256xf32> to vector<2048x256xf32>
    %mul3A_26 = arith.mulf %get3A_24, %mul3A_25 : vector<2048x256xf32>
    %add3A_27 = vector.broadcast %sub3A_21 : vector<1x256xf32> to vector<2048x256xf32>
    %add3A_28 = arith.addf %mul3A_26, %add3A_27 : vector<2048x256xf32>
    %max3A = arith.constant 0.000000e+00 : f32
    %max3A_29 = vector.broadcast %max3A : f32 to vector<2048x256xf32>
    %max3A_30 = arith.maximumf %add3A_28, %max3A_29 : vector<2048x256xf32>
    %get3A_31 = arith.constant 0 : index
    %get3A_32 = arith.constant 0 : index
    %get3A_33 = vector.load %arg3[%get3A_31, %get3A_32] : memref<256x256xf32, #tpu.memory_space<vmem>>, vector<256x256xf32>
    %dot_general3A = arith.constant dense<0.000000e+00> : vector<2048x256xf32>
    %dot_general3A_34 = tpu.matmul %max3A_30, %get3A_33, %dot_general3A {dimension_numbers = #tpu.dot_dimension_numbers<[1], [0], [0], [1], [0, 0, 1, 1], [], []>, transpose_lhs_hint = false} : vector<2048x256xf32>, vector<256x256xf32>, vector<2048x256xf32> -> vector<2048x256xf32>
    %get3A_35 = arith.constant 0 : index
    %get3A_36 = arith.constant 0 : index
    %get3A_37 = vector.load %arg4[%get3A_35, %get3A_36] : memref<1x256xf32, #tpu.memory_space<vmem>>, vector<1x256xf32>
    %add3A_38 = vector.broadcast %get3A_37 : vector<1x256xf32> to vector<2048x256xf32>
    %add3A_39 = arith.addf %dot_general3A_34, %add3A_38 : vector<2048x256xf32>
    %swap3A = arith.constant 0 : index
    %swap3A_40 = arith.constant 0 : index
    %swap3A_41 = vector.load %arg7[%swap3A, %swap3A_40] : memref<2048x256xf32, #tpu.memory_space<vmem>>, vector<2048x256xf32>
    tpu.vector_store %arg7[%swap3A, %swap3A_40], %add3A_39 {strides = array<i32>} : memref<2048x256xf32, #tpu.memory_space<vmem>>, vector<2048x256xf32>,
    %eq3A = arith.constant 0 : i32
    %eq3A_42 = arith.cmpi eq, %arg0, %eq3A : i32
    %convert_element_type3A = arith.extui %eq3A_42 : i1 to i32
    %cond3A = arith.constant 0 : i32
    %cond3A_43 = arith.cmpi ne, %convert_element_type3A, %cond3A : i32
    scf.if %cond3A_43 {
      %broadcast_in_dim3A_56 = arith.constant 0.000000e+00 : f32
      %broadcast_in_dim3A_57 = vector.broadcast %broadcast_in_dim3A_56 : f32 to vector<2x256xf32>
      %swap3A_58 = arith.constant 0 : index
      %swap3A_59 = arith.constant 0 : index
      %swap3A_60 = vector.load %arg8[%swap3A_58, %swap3A_59] : memref<2x256xf32, #tpu.memory_space<vmem>>, vector<2x256xf32>
      tpu.vector_store %arg8[%swap3A_58, %swap3A_59], %broadcast_in_dim3A_57 {strides = array<i32>} : memref<2x256xf32, #tpu.memory_space<vmem>>, vector<2x256xf32>,
    } else {
    }
    %get3A_44 = arith.constant 0 : index
    %get3A_45 = arith.constant 0 : index
    %get3A_46 = vector.load %arg8[%get3A_44, %get3A_45] : memref<2x256xf32, #tpu.memory_space<vmem>>, vector<2x256xf32>
    %reduce_sum3A = arith.constant dense<0.000000e+00> : vector<256xf32>
    %reduce_sum3A_47 = vector.multi_reduction <add>, %add3A_39, %reduce_sum3A [0] : vector<2048x256xf32> to vector<256xf32>
    %broadcast_in_dim3A = vector.shape_cast %reduce_sum3A_47 : vector<256xf32> to vector<1x256xf32>
    %mul3A_48 = arith.mulf %add3A_39, %add3A_39 : vector<2048x256xf32>
    %reduce_sum3A_49 = arith.constant dense<0.000000e+00> : vector<256xf32>
    %reduce_sum3A_50 = vector.multi_reduction <add>, %mul3A_48, %reduce_sum3A_49 [0] : vector<2048x256xf32> to vector<256xf32>
    %broadcast_in_dim3A_51 = vector.shape_cast %reduce_sum3A_50 : vector<256xf32> to vector<1x256xf32>
    %concatenate3A = tpu.concatenate %broadcast_in_dim3A, %broadcast_in_dim3A_51 in 0 : vector<1x256xf32>, vector<1x256xf32> -> vector<2x256xf32>
    %add3A_52 = arith.addf %get3A_46, %concatenate3A : vector<2x256xf32>
    %swap3A_53 = arith.constant 0 : index
    %swap3A_54 = arith.constant 0 : index
    %swap3A_55 = vector.load %arg8[%swap3A_53, %swap3A_54] : memref<2x256xf32, #tpu.memory_space<vmem>>, vector<2x256xf32>
    tpu.vector_store %arg8[%swap3A_53, %swap3A_54], %add3A_52 {strides = array<i32>} : memref<2x256xf32, #tpu.memory_space<vmem>>, vector<2x256xf32>,
    return
  }
  func.func @transform_0(%arg0: i32) -> (i32, i32) {
    %c0_i32 = arith.constant 0 : i32
    %c0_i32_0 = arith.constant 0 : i32
    return %arg0, %c0_i32 : i32, i32
  }
  func.func @transform_1(%arg0: i32) -> (i32, i32) {
    %c0_i32 = arith.constant 0 : i32
    %c0_i32_0 = arith.constant 0 : i32
    %c0_i32_1 = arith.constant 0 : i32
    return %c0_i32, %c0_i32_0 : i32, i32
  }
  func.func @transform_2(%arg0: i32) -> (i32, i32) {
    %c0_i32 = arith.constant 0 : i32
    %c0_i32_0 = arith.constant 0 : i32
    %c0_i32_1 = arith.constant 0 : i32
    return %c0_i32, %c0_i32_0 : i32, i32
  }
  func.func @transform_3(%arg0: i32) -> (i32, i32) {
    %c0_i32 = arith.constant 0 : i32
    %c0_i32_0 = arith.constant 0 : i32
    %c0_i32_1 = arith.constant 0 : i32
    return %c0_i32, %c0_i32_0 : i32, i32
  }
  func.func @transform_4(%arg0: i32) -> (i32, i32) {
    %c0_i32 = arith.constant 0 : i32
    %c0_i32_0 = arith.constant 0 : i32
    %c0_i32_1 = arith.constant 0 : i32
    return %c0_i32, %c0_i32_0 : i32, i32
  }
  func.func @transform_5(%arg0: i32) -> (i32, i32) {
    %c0_i32 = arith.constant 0 : i32
    %c0_i32_0 = arith.constant 0 : i32
    %c0_i32_1 = arith.constant 0 : i32
    return %c0_i32, %c0_i32_0 : i32, i32
  }
  func.func @transform_6(%arg0: i32) -> (i32, i32) {
    %c0_i32 = arith.constant 0 : i32
    %c0_i32_0 = arith.constant 0 : i32
    return %arg0, %c0_i32 : i32, i32
  }
  func.func @transform_7(%arg0: i32) -> (i32, i32) {
    %c0_i32 = arith.constant 0 : i32
    %c0_i32_0 = arith.constant 0 : i32
    %c0_i32_1 = arith.constant 0 : i32
    return %c0_i32, %c0_i32_0 : i32, i32
  }
}

module attributes {stable_mosaic.version = 14 : i64} {
  func.func @_k3_body(%arg0: i32, %arg1: memref<2048x256xf32, #tpu.memory_space<vmem>>, %arg2: memref<2x256xf32, #tpu.memory_space<vmem>>, %arg3: memref<1x256xf32, #tpu.memory_space<vmem>>, %arg4: memref<1x256xf32, #tpu.memory_space<vmem>>, %arg5: memref<2048x256xf32, #tpu.memory_space<vmem>>) attributes {dimension_semantics = [#tpu.dimension_semantics<arbitrary>], iteration_bounds = array<i64: 8>, scalar_prefetch = 0 : i64, scratch_operands = 0 : i64, tpu.core_type = #tpu.core_type<tc>, window_params = [{transform_indices = @transform_0, window_bounds = array<i64: 2048, 256>}, {pipeline_mode = #tpu.pipeline_mode<synchronous>, transform_indices = @transform_1, window_bounds = array<i64: 2, 256>}, {pipeline_mode = #tpu.pipeline_mode<synchronous>, transform_indices = @transform_2, window_bounds = array<i64: 1, 256>}, {pipeline_mode = #tpu.pipeline_mode<synchronous>, transform_indices = @transform_3, window_bounds = array<i64: 1, 256>}, {transform_indices = @transform_4, window_bounds = array<i64: 2048, 256>}]} {
    %get3A = arith.constant 0 : index
    %get3A_0 = arith.constant 0 : index
    %get3A_1 = vector.load %arg2[%get3A, %get3A_0] : memref<2x256xf32, #tpu.memory_space<vmem>>, vector<1x256xf32>
    %mul3A = arith.constant 6.10351563E-5 : f32
    %mul3A_2 = vector.broadcast %mul3A : f32 to vector<1x256xf32>
    %mul3A_3 = arith.mulf %get3A_1, %mul3A_2 : vector<1x256xf32>
    %get3A_4 = arith.constant 1 : index
    %get3A_5 = arith.constant 0 : index
    %get3A_6 = vector.load %arg2[%get3A_4, %get3A_5] : memref<2x256xf32, #tpu.memory_space<vmem>>, vector<1x256xf32>
    %mul3A_7 = arith.constant 6.10351563E-5 : f32
    %mul3A_8 = vector.broadcast %mul3A_7 : f32 to vector<1x256xf32>
    %mul3A_9 = arith.mulf %get3A_6, %mul3A_8 : vector<1x256xf32>
    %mul3A_10 = arith.mulf %mul3A_3, %mul3A_3 : vector<1x256xf32>
    %sub3A = arith.subf %mul3A_9, %mul3A_10 : vector<1x256xf32>
    %get3A_11 = arith.constant 0 : index
    %get3A_12 = arith.constant 0 : index
    %get3A_13 = vector.load %arg3[%get3A_11, %get3A_12] : memref<1x256xf32, #tpu.memory_space<vmem>>, vector<1x256xf32>
    %add3A = arith.constant 9.99999974E-6 : f32
    %add3A_14 = vector.broadcast %add3A : f32 to vector<1x256xf32>
    %add3A_15 = arith.addf %sub3A, %add3A_14 : vector<1x256xf32>
    %rsqrt3A = math.rsqrt %add3A_15 : vector<1x256xf32>
    %mul3A_16 = arith.mulf %get3A_13, %rsqrt3A : vector<1x256xf32>
    %get3A_17 = arith.constant 0 : index
    %get3A_18 = arith.constant 0 : index
    %get3A_19 = vector.load %arg4[%get3A_17, %get3A_18] : memref<1x256xf32, #tpu.memory_space<vmem>>, vector<1x256xf32>
    %mul3A_20 = arith.mulf %mul3A_3, %mul3A_16 : vector<1x256xf32>
    %sub3A_21 = arith.subf %get3A_19, %mul3A_20 : vector<1x256xf32>
    %get3A_22 = arith.constant 0 : index
    %get3A_23 = arith.constant 0 : index
    %get3A_24 = vector.load %arg1[%get3A_22, %get3A_23] : memref<2048x256xf32, #tpu.memory_space<vmem>>, vector<2048x256xf32>
    %mul3A_25 = vector.broadcast %mul3A_16 : vector<1x256xf32> to vector<2048x256xf32>
    %mul3A_26 = arith.mulf %get3A_24, %mul3A_25 : vector<2048x256xf32>
    %add3A_27 = vector.broadcast %sub3A_21 : vector<1x256xf32> to vector<2048x256xf32>
    %add3A_28 = arith.addf %mul3A_26, %add3A_27 : vector<2048x256xf32>
    %max3A = arith.constant 0.000000e+00 : f32
    %max3A_29 = vector.broadcast %max3A : f32 to vector<2048x256xf32>
    %max3A_30 = arith.maximumf %add3A_28, %max3A_29 : vector<2048x256xf32>
    %swap3A = arith.constant 0 : index
    %swap3A_31 = arith.constant 0 : index
    %swap3A_32 = vector.load %arg5[%swap3A, %swap3A_31] : memref<2048x256xf32, #tpu.memory_space<vmem>>, vector<2048x256xf32>
    tpu.vector_store %arg5[%swap3A, %swap3A_31], %max3A_30 {strides = array<i32>} : memref<2048x256xf32, #tpu.memory_space<vmem>>, vector<2048x256xf32>,
    return
  }
  func.func @transform_0(%arg0: i32) -> (i32, i32) {
    %c0_i32 = arith.constant 0 : i32
    %c0_i32_0 = arith.constant 0 : i32
    return %arg0, %c0_i32 : i32, i32
  }
  func.func @transform_1(%arg0: i32) -> (i32, i32) {
    %c0_i32 = arith.constant 0 : i32
    %c0_i32_0 = arith.constant 0 : i32
    %c0_i32_1 = arith.constant 0 : i32
    return %c0_i32, %c0_i32_0 : i32, i32
  }
  func.func @transform_2(%arg0: i32) -> (i32, i32) {
    %c0_i32 = arith.constant 0 : i32
    %c0_i32_0 = arith.constant 0 : i32
    %c0_i32_1 = arith.constant 0 : i32
    return %c0_i32, %c0_i32_0 : i32, i32
  }
  func.func @transform_3(%arg0: i32) -> (i32, i32) {
    %c0_i32 = arith.constant 0 : i32
    %c0_i32_0 = arith.constant 0 : i32
    %c0_i32_1 = arith.constant 0 : i32
    return %c0_i32, %c0_i32_0 : i32, i32
  }
  func.func @transform_4(%arg0: i32) -> (i32, i32) {
    %c0_i32 = arith.constant 0 : i32
    %c0_i32_0 = arith.constant 0 : i32
    return %arg0, %c0_i32 : i32, i32
  }
}

</mosaic_0001>

<sc_bundles>
// kernel: kernel.7.cloned.1.call-start
scs
__scs_entry_jumppad:
0x0: {  	(pc) =	sbr.rel $0x88, $3  }
0x1: {  	(tag) =	ssettag $0x0;
	lr =	simm.s32 $0x1  }
0x2: {  	[smem:$0x3F95] =	sst lr;
	_ =	strace $0xD0000000  }
0x3: {  	_ = 	snop  }
0x4: {  	_ = 	snop  }
0x5: {  	_ = 	snop  }
0x6: {  	_ = 	snop  }
0x7: {  	_ = 	snop  }
__scs_overlays_trampoline_lowered:
0x8: {  	[smem:$0x3FA4] =	sst s0  }
0x9: {  	[smem:$0x3FA5] =	sst s1  }
0xa: {  	[smem:$0x3FA6] =	sst s2  }
0xb: {  	[smem:$0x3FA7] =	sst s3  }
0xc: {  	[smem:$0x3FA8] =	sst s4  }
0xd: {  	[smem:$0x3FA9] =	sst s5  }
0xe: {  	[smem:$0x3FAA] =	sst s6  }
0xf: {  	[smem:$0x3FAB] =	sst s7  }
0x10: {  	[smem:$0x3FAC] =	sst s8  }
0x11: {  	[smem:$0x3FAD] =	sst s9;
	s0 =	simm.s32 @!p0 $0x0  }
0x12: {  	s1 =	sld [smem:$0x3F93];
	s0 =	simm.s32 @p0 $0x1  }
0x13: {  	[smem:$0x3FAE] =	sst s0;
	s0 =	simm.s32 @!p1 $0x0  }
0x14: {  	s2 =	sld [smem:$0x3F92];
	s0 =	simm.s32 @p1 $0x1  }
0x15: {  	[smem:$0x3FAF] =	sst s0;
	s0 =	simm.s32 @!p2 $0x0  }
0x16: {  	s3 =	sld [smem:$0x3FDB];
	s0 =	simm.s32 @p2 $0x1  }
0x17: {  	s4 =	simm.s32 $0x1BF5;
	[smem:$0x3FB1] =	sst s0  }
0x18: {  	s0 =	sld [smem:$0x3F94];
	_ =	swait.ge [sflag:s4], $0x0  }
0x19: {  	s7 =	sld [smem:$0x3F95]  }
0x1a: {  	s8 =	sadd.s32 $0xFFFFE003, lr  }
0x1b: {  	s9 =	sadd.s32 $0xFFFFFEF7, lr;
	s5 =	simm.s32 $0xFFFFFFFF;
	p2 =	slt.u32 s8, $0xFFFFF086  }
0x1c: {  	p1 =	slt.u32 s9, $0xF7A;
	s5 =	simm.s32 @!p2 $0x0  }
0x1d: {  	s5 =	simm.s32 @p1 $0x1;
	p0 =	seq.s32 s7, s2  }
0x1e: {  	s7 =	smul.u32 @!p0 $0xF7A, s2;
	p2 =	seq.s32 @!p0 s5, $0x0  }
0x1f: {  	s9 =	smul.u32 $0xF7A, s1;
	s8 =	simm.s32 @!p0 $0x1BF5;
	p2 =	por !p2, p0  }
0x20: {  	[sflag:s8] =	ssyncset.s32 @!p0 $0xFFFFF086;
	s6 =	sadd.s32 @!p0 s3, s7;
	s7 =	simm.s32 @!p0 $0x108  }
0x21: {  	s3 =	sadd.s32 s3, s9;
	s6 =	sadd.s32 @!p0 $0x88, s6;
	s7 =	simm.s32 @p2 $0x1082  }
0x22: {  	[simem:s7], [sflag:s8] =	dma.local @!p0 [hbm:s6], $0xF7A  }
0x23: {  	s9 =	sor.u32 $0xD0000000, s2;
	s6 =	simm.s32 $0x108;
	_ =	swait.ge @!p0 [sflag:s8], $0x0  }
0x24: {  	s3 =	sadd.s32 $0x88, s3;
	s6 =	simm.s32 @!p1 $0x1082;
	[sflag:s4] =	ssyncset.s32 $0xFFFFF086  }
0x25: {  	[simem:s6], [sflag:s4] =	dma.local [hbm:s3], $0xF7A  }
0x26: {  	[smem:$0x3F95] =	sst s1;
	(tag) =	ssettag s2;
	_ =	strace s9  }
0x27: {  	s1 =	sld [smem:$0x3FA5]  }
0x28: {  	s2 =	sld [smem:$0x3FA6]  }
0x29: {  	s4 =	sld [smem:$0x3FA8]  }
0x2a: {  	p0 =	seq.s32 s5, $0x0;
	s5 =	sld [smem:$0x3FA9]  }
0x2b: {  	s6 =	sld [smem:$0x3FAA]  }
0x2c: {  	s7 =	sld [smem:$0x3FAB]  }
0x2d: {  	s3 =	simm.s32 $0x108;
	s8 =	sld [smem:$0x3FAC]  }
0x2e: {  	s3 =	simm.s32 @!p0 $0x1082;
	s9 =	sld [smem:$0x3FAD]  }
0x2f: {  	lr =	sadd.s32 s0, s3;
	s0 =	sld [smem:$0x3FA4]  }
0x30: {  	s3 =	sld [smem:$0x3FA7]  }
0x31: {  	[smem:$0x3FB0] =	sst s10  }
0x32: {  	s10 =	sld [smem:$0x3FAE];
	_ =	sdelay $0x3  }
0x33: {  	p0 =	seq.s32 s10, $0x1;
	s10 =	sld [smem:$0x3FB0];
	_ =	sdelay $0x3  }
0x34: {  	[smem:$0x3FB0] =	sst s10  }
0x35: {  	s10 =	sld [smem:$0x3FAF];
	_ =	sdelay $0x3  }
0x36: {  	p1 =	seq.s32 s10, $0x1;
	s10 =	sld [smem:$0x3FB0];
	_ =	sdelay $0x3  }
0x37: {  	[smem:$0x3FB0] =	sst s10  }
0x38: {  	s10 =	sld [smem:$0x3FB1]  }
0x39: {  	_ = 	snop;
	(pc) =	sbr.ind lr, $3  }
0x3a: {  	_ = 	snop  }
0x3b: {  	_ = 	snop  }
0x3c: {  	p2 =	seq.s32 s10, $0x1;
	s10 =	sld [smem:$0x3FB0]  }
0x3d: {  	_ =	shalt  }
0x3e: {  	_ =	shalt  }
0x3f: {  	_ =	shalt  }
0x40: {  	_ =	shalt  }
0x41: {  	_ =	shalt  }
0x42: {  	_ =	shalt  }
0x43: {  	_ =	shalt  }
0x44: {  	_ =	shalt  }
0x45: {  	_ =	shalt  }
0x46: {  	_ =	shalt  }
0x47: {  	_ =	shalt  }
0x48: {  	_ =	shalt  }
0x49: {  	_ =	shalt  }
0x4a: {  	_ =	shalt  }
0x4b: {  	_ =	shalt  }
0x4c: {  	_ =	shalt  }
0x4d: {  	_ =	shalt  }
0x4e: {  	_ =	shalt  }
0x4f: {  	_ =	shalt  }
0x50: {  	_ =	shalt  }
0x51: {  	_ =	shalt  }
0x52: {  	_ =	shalt  }
0x53: {  	_ =	shalt  }
0x54: {  	_ =	shalt  }
0x55: {  	_ =	shalt  }
0x56: {  	_ =	shalt  }
0x57: {  	_ =	shalt  }
0x58: {  	_ =	shalt  }
0x59: {  	_ =	shalt  }
0x5a: {  	_ =	shalt  }
0x5b: {  	_ =	shalt  }
0x5c: {  	_ =	shalt  }
0x5d: {  	_ =	shalt  }
0x5e: {  	_ =	shalt  }
0x5f: {  	_ =	shalt  }
0x60: {  	_ =	shalt  }
0x61: {  	_ =	shalt  }
0x62: {  	_ =	shalt  }
0x63: {  	_ =	shalt  }
0x64: {  	_ =	shalt  }
0x65: {  	_ =	shalt  }
0x66: {  	_ =	shalt  }
0x67: {  	_ =	shalt  }
0x68: {  	_ =	shalt  }
0x69: {  	_ =	shalt  }
0x6a: {  	_ =	shalt  }
0x6b: {  	_ =	shalt  }
0x6c: {  	_ =	shalt  }
0x6d: {  	_ =	shalt  }
0x6e: {  	_ =	shalt  }
0x6f: {  	_ =	shalt  }
0x70: {  	_ =	shalt  }
0x71: {  	_ =	shalt  }
0x72: {  	_ =	shalt  }
0x73: {  	_ =	shalt  }
0x74: {  	_ =	shalt  }
0x75: {  	_ =	shalt  }
0x76: {  	_ =	shalt  }
0x77: {  	_ =	shalt  }
0x78: {  	_ =	shalt  }
0x79: {  	_ =	shalt  }
0x7a: {  	_ =	shalt  }
0x7b: {  	_ =	shalt  }
0x7c: {  	_ =	shalt  }
0x7d: {  	_ =	shalt  }
0x7e: {  	_ =	shalt  }
0x7f: {  	_ =	shalt  }
0x80: {  	_ =	shalt  }
0x81: {  	_ =	shalt  }
0x82: {  	_ =	shalt  }
0x83: {  	_ =	shalt  }
0x84: {  	_ =	shalt  }
0x85: {  	_ =	shalt  }
0x86: {  	_ =	shalt  }
0x87: {  	_ =	shalt  }
.Lfunc_end0:
.L_simem_size_0:
called_computation_lowered:
.L_overlay_start_0:
0x88: {  	s2 =	sld [smem:$0x3FD9]  }
0x89: {  	s3 =	sld [smem:$0x3FFE];
	_ =	sdelay $0x1  }
0x8a: {  	s1 =	srdreg.scid  }
0x8b: {  	s0 =	sand.u32 $0x1, s1  }
0x8c: {  	s17 =	sshll.u32 s0, $0xA;
	s2 =	sadd.s32 s3, s2  }
0x8d: {  	s2 =	sadd.s32 s2, s17  }
0x8e: {  	[smem:$0x3FBC] =	sst s2  }
0x8f: {  	_ = 	snop  }
0x90: {  	s2 =	sld [smem:$0x3FC6]  }
0x91: {  	s18 =	sld [smem:$0x3FD0];
	(tm) =	ssettm $0x1  }
0x92: {  	s4 =	sld [smem:$0x3FFB];
	_ =	sdelay $0x3  }
0x93: {  	_ =	strace s4  }
0x94: {  	s4 =	sld [smem:$0x3FFC];
	_ =	sdelay $0x3  }
0x95: {  	_ =	strace s4  }
0x96: {  	s4 =	sld [smem:$0x3FFD];
	_ =	sdelay $0x3  }
0x97: {  	_ =	strace s4  }
0x98: {  	_ =	strace $0x8FFFFFFF  }
0x99: {  	s19 =	sld [smem:$0x3FDB];
	_ =	sdelay $0x1  }
0x9a: {  	s5 =	simm.s32 $_scs_section_size  }
0x9b: {  	s6 =	simm.s32 $_size__tile_overlayer_lowered;
	s7 =	simm.s32 $_tile_overlayer_lowered  }
0x9c: {  	s22 =	simm.s32 $0x1BFF;
	s21 =	sshll.u32 s7, $0x1;
	s4 =	sadd.s32 s5, s19  }
0x9d: {  	s8 =	simm.s32 $0x0;
	s20 =	sshll.u32 s6, $0x1;
	s6 =	sadd.s32 s21, s4  }
0x9e: {  	[timem:s8], [sflag:s22] =	dma.local [hbm:s6], s20  }
0x9f: {  	_ =	swait.ge [sflag:s22], s20  }
0xa0: {  	s5 =	ssub.s32 $0x0, s20;
	[sflag:s22] =	ssyncset.done $0x0  }
0xa1: {  	[sflag:s22] =	ssyncadd.s32 s5;
	_ =	sdelay $0x1  }
0xa2: {  	s23 =	simm.s32 $0x1B8B  }
0xa3: {  	_ =	swait.ge [sflag:s23], $0x1  }
0xa4: {  	[sflag:s23] =	ssyncset.done $0x0  }
0xa5: {  	s25 =	simm.s32 $0x1B8E;
	s24 =	sld [smem:$0x3FFE];
	[sflag:s23] =	ssyncadd.s32 $0xFFFFFFFF  }
0xa6: {  	s26 =	simm.s32 $execute0_lowered;
	[smem:$0x3FD2] =	sst s25  }
0xa7: {  	s6 =	sshll.u32 s26, $0x1;
	_ =	strace $0x80000046;
	[dreg:$0x1] =	wrdreg $0xFFFFFFFF  }
0xa8: {  	s28 =	simm.s32 $_size_execute0_lowered;
	s4 =	sadd.s32 s4, s6;
	[dreg:$0x0] =	wrdreg $0x0  }
0xa9: {  	s6 =	sshll.u32 s28, $0x1;
	[dreg:$0x2] =	wrdreg s4  }
0xaa: {  	[dreg:$0x3] =	wrdreg s6  }
0xab: {  	[dreg:$0x4] =	wrdreg $0xC0  }
0xac: {  	_ =	task [dreg:s8], $0x5FFFF  }
0xad: {  	[dreg:$0x1] =	wrdreg $0xFFFFFFFF  }
0xae: {  	[dreg:$0x0] =	wrdreg $0x60  }
0xaf: {  	[dreg:$0x2] =	wrdreg s2  }
0xb0: {  	[dreg:$0x3] =	wrdreg s24  }
0xb1: {  	[dreg:$0x4] =	wrdreg s18  }
0xb2: {  	[dreg:$0x5] =	wrdreg $0x9  }
0xb3: {  	_ =	task.clear_ibuf [dreg:s8], $0x6FFFF;
	_ =	strace $0x90000046  }
0xb4: {  	s29 =	simm.s32 $0x9;
	_ =	strace $0x80000048  }
0xb5: {  	_ =	swait.ge [sflag:s29], $0x1  }
0xb6: {  	[sflag:s29] =	ssyncadd.s32 $0xFFFFFFFF  }
0xb7: {  	_ =	strace $0x90000048  }
0xb8: {  	_ =	sfence  }
0xb9: {  	s30 =	sld [smem:$0x0];
	_ =	sdelay $0x2  }
0xba: {  	s31 =	sshll.u32 s1, $0xD;
	s1 =	sshrl.u32 s1, $0x2  }
0xbb: {  	s3 =	sand.u32 $0x4000, s31;
	s1 =	sadd.s32 s1, s30  }
0xbc: {  	s0 =	sor.u32 s3, s0;
	s1 =	sshll.u32 s1, $0x11  }
0xbd: {  	s0 =	sor.u32 s1, s0  }
0xbe: {  	s0 =	sadd.s32 $0x8F2B, s0  }
0xbf: {  	[sflag:s0] =	ssyncadd.remote.s32 $0x1  }
0xc0: {  	_ =	sfence.sel $0xFFFF  }
0xc1: {  	[dreg:$0x0] =	wrdreg $0xFFFFFFFF;
	(pc) =	sbr.abs _section_cstart, $3  }
0xc2: {  	[dreg:$0x1] =	wrdreg $0xFFFFFFFF  }
0xc3: {  	_ =	task.clear_ibuf [dreg:s8], $0x2FFFF;
	_ =	strace $0x9FFFFFFF  }
0xc4: {  	(tm) =	ssettm $0x7FFFFFFF  }
0xc5: {  	_ =	shalt  }
tec
execute0_lowered:
.L_overlay_start_1:
0x0: {  	(tag) =	ssettag $0x1  }
0x1: {  	s1 =	rddreg [dreg:$0x0]  }
0x2: {  	s0 =	rddreg [dreg:$0x1]  }
0x3: {  	s2 =	srdreg.scid;
	s6 =	stileid.u32;
	s4 =	simm.s32 $0x0  }
0x4: {  	s9 =	simm.s32 $0x2;
	s29 =	simm.s32 $0x9800;
	s30 =	simm.s32 $0xA000  }
0x5: {  	s31 =	simm.s32 $0xA800;
	s10 =	simm.s32 $0xC000;
	s8 =	simm.s32 $0xD000  }
0x6: {  	s11 =	simm.s32 $0x0;
	s2 =	sand.u32 $0x1, s2;
	s3 =	sshll.u32 s6, $0x9  }
0x7: {  	[smem:$0x7FF] =	sst s4;
	s25 =	sshll.u32 s6, $0xA;
	s5 =	sshll.u32 s2, $0x8  }
0x8: {  	s6 =	simm.s32 $0x1;
	s23 =	ssub.s32 $0x2, s2;
	s3 =	sor.u32 s5, s3  }
0x9: {  	_ =	strace $0x80000047;
	s2 =	sshll.u32 s2, $0x9;
	s0 =	sadd.s32 s3, s0  }
0xa: {  	s24 =	sshrl.u32 s23, $0x1;
	s7 =	sor.u32 s2, s25;
	s26 =	sadd.s32 $0x2600, s0  }
0xb: {  	v2 =	vlaneseq.u32;
	s3 =	ssub.s32 s23, s24;
	s0 =	sadd.s32 $0x4600, s0;
	[dreg:$0x4] =	wrdreg s26  }
0xc: {  	vm0 =	vmmov $0xffff;
	v1 =	vshrl.u32 v2, $0x3;
	s2 =	simm.s32 $0xB800;
	s28 =	smax.u32 s3, $0x1;
	[dreg:$0x5] =	wrdreg s0  }
0xd: {  	v0 =	vand.u32 $0x7, v2;
	v2 =	vor.u32 $0x8, v2;
	v1 =	vmul.u32 $0x8, v1;
	s5 =	simm.s32 $0xC800;
	[dreg:$0x6] =	wrdreg s28;
	s0 =	simm.s32 $0xB000  }
.LBB2_1:
0xe: {  	[dreg:$0x7] =	wrdreg s11  }
0xf: {  	s3 =	rddreg [dreg:$0x4]  }
0x10: {  	[tilespmem:s4], [sflag:$0x2] =	stream.linear.gather [hbm4b:s3+s4], $0x800, $0x38;
	[tilespmem:$0x11000] =	vst v63  }
0x11: {  	_ =	swait.ge [sflag:s9], $0x800  }
0x12: {  	[sflag:s9] =	ssyncset.done $0x0  }
0x13: {  	s28 =	simm.s32 $0x800;
	s26 =	rddreg [dreg:$0x5];
	[sflag:s9] =	ssyncadd.s32 $0xFFFFF800  }
0x14: {  	[tilespmem:s28], [sflag:$0x2] =	stream.linear.gather [hbm4b:s26+s4], $0x800, $0x38;
	[tilespmem:$0x11000] =	vst v63  }
0x15: {  	_ =	swait.ge [sflag:s9], $0x800  }
0x16: {  	[sflag:s9] =	ssyncset.done $0x0  }
0x17: {  	s3 =	simm.s32 $0x0;
	[sflag:s9] =	ssyncadd.s32 $0xFFFFF800  }
.LBB2_2:
0x18: {  	s11 =	sshll.u32 s3, $0x6;
	s14 =	sshll.u32 s3, $0x8  }
0x19: {  	s15 =	sand.u32 $0x40, s11;
	s12 =	sand.u32 $0x600, s14  }
0x1a: {  	s13 =	sor.u32 s15, s12  }
0x1b: {  	v3 =	vld [tilespmem:s13+$0x0];
	_ =	sdelay $0x4  }
0x1c: {  	v4 =	vshll.u32 v3, $0x1  }
0x1d: {  	v3 =	vand.u32 $0x7, v3;
	v4 =	vand.u32 $0xFFFFFFF0, v4  }
0x1e: {  	v3 =	vor.u32 v3, v4  }
0x1f: {  	v4 =	vperm.xlane v3, v0;
	_ =	sdelay $0x1  }
0x20: {  	v3 =	vperm.xlane v3, v2;
	v4 =	vadd.s32 v1, v4;
	_ =	sdelay $0x1  }
0x21: {  	v3 =	vadd.s32 v1, v3;
	_ =	sdelay $0x1  }
0x22: {  	s16 =	simm.s32 $0x1000;
	s12 =	simm.s32 $0x0  }
0x23: {  	[tilespmem:s16], [sflag:$0x1] =	stream.indirect_vreg.gather [hbm4b:s1+s12], $0x80, v4, vm0, $0xb8;
	[tilespmem:$0x11000] =	vst v63  }
0x24: {  	s21 =	simm.s32 $0x1800  }
0x25: {  	[tilespmem:s21], [sflag:$0x1] =	stream.indirect_vreg.gather [hbm4b:s1+s12], $0x80, v3, vm0, $0xb8;
	[tilespmem:$0x11000] =	vst v63  }
0x26: {  	v3 =	vld [tilespmem:s13+$0x10];
	_ =	sdelay $0x4  }
0x27: {  	v4 =	vshll.u32 v3, $0x1  }
0x28: {  	v3 =	vand.u32 $0x7, v3;
	v4 =	vand.u32 $0xFFFFFFF0, v4  }
0x29: {  	v3 =	vor.u32 v3, v4  }
0x2a: {  	v4 =	vperm.xlane v3, v0;
	_ =	sdelay $0x1  }
0x2b: {  	v3 =	vperm.xlane v3, v2;
	v4 =	vadd.s32 v1, v4;
	_ =	sdelay $0x1  }
0x2c: {  	v3 =	vadd.s32 v1, v3;
	_ =	sdelay $0x1  }
0x2d: {  	s22 =	simm.s32 $0x2000  }
0x2e: {  	[tilespmem:s22], [sflag:$0x1] =	stream.indirect_vreg.gather [hbm4b:s1+s12], $0x80, v4, vm0, $0xb8;
	[tilespmem:$0x11000] =	vst v63  }
0x2f: {  	s23 =	simm.s32 $0x2800  }
0x30: {  	[tilespmem:s23], [sflag:$0x1] =	stream.indirect_vreg.gather [hbm4b:s1+s12], $0x80, v3, vm0, $0xb8;
	[tilespmem:$0x11000] =	vst v63  }
0x31: {  	v3 =	vld [tilespmem:s13+$0x20];
	_ =	sdelay $0x4  }
0x32: {  	v4 =	vshll.u32 v3, $0x1  }
0x33: {  	v3 =	vand.u32 $0x7, v3;
	v4 =	vand.u32 $0xFFFFFFF0, v4  }
0x34: {  	v3 =	vor.u32 v3, v4  }
0x35: {  	v4 =	vperm.xlane v3, v0;
	_ =	sdelay $0x1  }
0x36: {  	v3 =	vperm.xlane v3, v2;
	v4 =	vadd.s32 v1, v4;
	_ =	sdelay $0x1  }
0x37: {  	v3 =	vadd.s32 v1, v3;
	_ =	sdelay $0x1  }
0x38: {  	s24 =	simm.s32 $0x3000  }
0x39: {  	[tilespmem:s24], [sflag:$0x1] =	stream.indirect_vreg.gather [hbm4b:s1+s12], $0x80, v4, vm0, $0xb8;
	[tilespmem:$0x11000] =	vst v63  }
0x3a: {  	s25 =	simm.s32 $0x3800  }
0x3b: {  	[tilespmem:s25], [sflag:$0x1] =	stream.indirect_vreg.gather [hbm4b:s1+s12], $0x80, v3, vm0, $0xb8;
	[tilespmem:$0x11000] =	vst v63  }
0x3c: {  	v3 =	vld [tilespmem:s13+$0x30];
	_ =	sdelay $0x4  }
0x3d: {  	v4 =	vshll.u32 v3, $0x1  }
0x3e: {  	v3 =	vand.u32 $0x7, v3;
	v4 =	vand.u32 $0xFFFFFFF0, v4  }
0x3f: {  	v3 =	vor.u32 v3, v4  }
0x40: {  	v4 =	vperm.xlane v3, v0;
	_ =	sdelay $0x1  }
0x41: {  	v3 =	vperm.xlane v3, v2;
	v4 =	vadd.s32 v1, v4;
	_ =	sdelay $0x1  }
0x42: {  	v3 =	vadd.s32 v1, v3;
	_ =	sdelay $0x1  }
0x43: {  	s26 =	simm.s32 $0x4000  }
0x44: {  	[tilespmem:s26], [sflag:$0x1] =	stream.indirect_vreg.gather [hbm4b:s1+s12], $0x80, v4, vm0, $0xb8;
	[tilespmem:$0x11000] =	vst v63  }
0x45: {  	s28 =	simm.s32 $0x4800  }
0x46: {  	[tilespmem:s28], [sflag:$0x1] =	stream.indirect_vreg.gather [hbm4b:s1+s12], $0x80, v3, vm0, $0xb8;
	[tilespmem:$0x11000] =	vst v63  }
0x47: {  	v3 =	vld [tilespmem:s13+$0x80];
	_ =	sdelay $0x4  }
0x48: {  	v4 =	vshll.u32 v3, $0x1  }
0x49: {  	v3 =	vand.u32 $0x7, v3;
	v4 =	vand.u32 $0xFFFFFFF0, v4  }
0x4a: {  	v3 =	vor.u32 v3, v4  }
0x4b: {  	v4 =	vperm.xlane v3, v0;
	_ =	sdelay $0x1  }
0x4c: {  	v3 =	vperm.xlane v3, v2;
	v4 =	vadd.s32 v1, v4;
	_ =	sdelay $0x1  }
0x4d: {  	v3 =	vadd.s32 v1, v3;
	_ =	sdelay $0x1  }
0x4e: {  	s17 =	simm.s32 $0x5000  }
0x4f: {  	[tilespmem:s17], [sflag:$0x1] =	stream.indirect_vreg.gather [hbm4b:s1+s12], $0x80, v4, vm0, $0xb8;
	[tilespmem:$0x11000] =	vst v63  }
0x50: {  	s18 =	simm.s32 $0x5800  }
0x51: {  	[tilespmem:s18], [sflag:$0x1] =	stream.indirect_vreg.gather [hbm4b:s1+s12], $0x80, v3, vm0, $0xb8;
	[tilespmem:$0x11000] =	vst v63  }
0x52: {  	v3 =	vld [tilespmem:s13+$0x90];
	_ =	sdelay $0x4  }
0x53: {  	v4 =	vshll.u32 v3, $0x1  }
0x54: {  	v3 =	vand.u32 $0x7, v3;
	v4 =	vand.u32 $0xFFFFFFF0, v4  }
0x55: {  	v3 =	vor.u32 v3, v4  }
0x56: {  	v4 =	vperm.xlane v3, v0;
	_ =	sdelay $0x1  }
0x57: {  	v3 =	vperm.xlane v3, v2;
	v4 =	vadd.s32 v1, v4;
	_ =	sdelay $0x1  }
0x58: {  	v3 =	vadd.s32 v1, v3;
	_ =	sdelay $0x1  }
0x59: {  	s19 =	simm.s32 $0x6000  }
0x5a: {  	[tilespmem:s19], [sflag:$0x1] =	stream.indirect_vreg.gather [hbm4b:s1+s12], $0x80, v4, vm0, $0xb8;
	[tilespmem:$0x11000] =	vst v63  }
0x5b: {  	s20 =	simm.s32 $0x6800  }
0x5c: {  	[tilespmem:s20], [sflag:$0x1] =	stream.indirect_vreg.gather [hbm4b:s1+s12], $0x80, v3, vm0, $0xb8;
	[tilespmem:$0x11000] =	vst v63  }
0x5d: {  	v3 =	vld [tilespmem:s13+$0xA0];
	_ =	sdelay $0x4  }
0x5e: {  	v4 =	vshll.u32 v3, $0x1  }
0x5f: {  	v3 =	vand.u32 $0x7, v3;
	v4 =	vand.u32 $0xFFFFFFF0, v4  }
0x60: {  	v3 =	vor.u32 v3, v4  }
0x61: {  	v4 =	vperm.xlane v3, v0;
	_ =	sdelay $0x1  }
0x62: {  	v3 =	vperm.xlane v3, v2;
	v4 =	vadd.s32 v1, v4;
	_ =	sdelay $0x1  }
0x63: {  	v3 =	vadd.s32 v1, v3;
	_ =	sdelay $0x1  }
0x64: {  	s21 =	simm.s32 $0x7000  }
0x65: {  	[tilespmem:s21], [sflag:$0x1] =	stream.indirect_vreg.gather [hbm4b:s1+s12], $0x80, v4, vm0, $0xb8;
	[tilespmem:$0x11000] =	vst v63  }
0x66: {  	s22 =	simm.s32 $0x7800  }
0x67: {  	[tilespmem:s22], [sflag:$0x1] =	stream.indirect_vreg.gather [hbm4b:s1+s12], $0x80, v3, vm0, $0xb8;
	[tilespmem:$0x11000] =	vst v63  }
0x68: {  	v3 =	vld [tilespmem:s13+$0xB0];
	_ =	sdelay $0x4  }
0x69: {  	v4 =	vshll.u32 v3, $0x1  }
0x6a: {  	v3 =	vand.u32 $0x7, v3;
	v4 =	vand.u32 $0xFFFFFFF0, v4  }
0x6b: {  	v3 =	vor.u32 v3, v4  }
0x6c: {  	v4 =	vperm.xlane v3, v0;
	_ =	sdelay $0x1  }
0x6d: {  	v3 =	vperm.xlane v3, v2;
	v4 =	vadd.s32 v1, v4;
	_ =	sdelay $0x1  }
0x6e: {  	v3 =	vadd.s32 v1, v3;
	_ =	sdelay $0x1  }
0x6f: {  	s14 =	sor.u32 s15, s14;
	s23 =	simm.s32 $0x8000  }
0x70: {  	[tilespmem:s23], [sflag:$0x1] =	stream.indirect_vreg.gather [hbm4b:s1+s12], $0x80, v4, vm0, $0xb8;
	[tilespmem:$0x11000] =	vst v63  }
0x71: {  	s15 =	sor.u32 $0x100, s14;
	s24 =	simm.s32 $0x8800  }
0x72: {  	[tilespmem:s24], [sflag:$0x1] =	stream.indirect_vreg.gather [hbm4b:s1+s12], $0x80, v3, vm0, $0xb8;
	[tilespmem:$0x11000] =	vst v63  }
0x73: {  	v3 =	vld [tilespmem:s15+$0x0];
	_ =	sdelay $0x4  }
0x74: {  	v4 =	vshll.u32 v3, $0x1  }
0x75: {  	v3 =	vand.u32 $0x7, v3;
	v4 =	vand.u32 $0xFFFFFFF0, v4  }
0x76: {  	v3 =	vor.u32 v3, v4  }
0x77: {  	v4 =	vperm.xlane v3, v0;
	_ =	sdelay $0x1  }
0x78: {  	v3 =	vperm.xlane v3, v2;
	v4 =	vadd.s32 v1, v4;
	_ =	sdelay $0x1  }
0x79: {  	v3 =	vadd.s32 v1, v3;
	_ =	sdelay $0x1  }
0x7a: {  	s25 =	simm.s32 $0x9000  }
0x7b: {  	[tilespmem:s25], [sflag:$0x1] =	stream.indirect_vreg.gather [hbm4b:s1+s12], $0x80, v4, vm0, $0xb8;
	[tilespmem:$0x11000] =	vst v63  }
0x7c: {  	s26 =	sor.u32 $0x110, s14  }
0x7d: {  	[tilespmem:s29], [sflag:$0x1] =	stream.indirect_vreg.gather [hbm4b:s1+s12], $0x80, v3, vm0, $0xb8;
	[tilespmem:$0x11000] =	vst v63  }
0x7e: {  	v3 =	vld [tilespmem:s26+$0x0];
	_ =	sdelay $0x4  }
0x7f: {  	v4 =	vshll.u32 v3, $0x1  }
0x80: {  	v3 =	vand.u32 $0x7, v3;
	v4 =	vand.u32 $0xFFFFFFF0, v4  }
0x81: {  	v3 =	vor.u32 v3, v4  }
0x82: {  	v4 =	vperm.xlane v3, v0;
	_ =	sdelay $0x1  }
0x83: {  	v3 =	vperm.xlane v3, v2;
	v4 =	vadd.s32 v1, v4;
	_ =	sdelay $0x1  }
0x84: {  	v3 =	vadd.s32 v1, v3;
	_ =	sdelay $0x2  }
0x85: {  	[tilespmem:s30], [sflag:$0x1] =	stream.indirect_vreg.gather [hbm4b:s1+s12], $0x80, v4, vm0, $0xb8;
	[tilespmem:$0x11000] =	vst v63  }
0x86: {  	s28 =	sor.u32 $0x120, s14  }
0x87: {  	[tilespmem:s31], [sflag:$0x1] =	stream.indirect_vreg.gather [hbm4b:s1+s12], $0x80, v3, vm0, $0xb8;
	[tilespmem:$0x11000] =	vst v63  }
0x88: {  	v3 =	vld [tilespmem:s28+$0x0];
	_ =	sdelay $0x4  }
0x89: {  	v4 =	vshll.u32 v3, $0x1  }
0x8a: {  	v3 =	vand.u32 $0x7, v3;
	v4 =	vand.u32 $0xFFFFFFF0, v4  }
0x8b: {  	v3 =	vor.u32 v3, v4  }
0x8c: {  	v4 =	vperm.xlane v3, v0;
	_ =	sdelay $0x1  }
0x8d: {  	v3 =	vperm.xlane v3, v2;
	v4 =	vadd.s32 v1, v4;
	_ =	sdelay $0x1  }
0x8e: {  	v3 =	vadd.s32 v1, v3;
	_ =	sdelay $0x2  }
0x8f: {  	[tilespmem:s0], [sflag:$0x1] =	stream.indirect_vreg.gather [hbm4b:s1+s12], $0x80, v4, vm0, $0xb8;
	[tilespmem:$0x11000] =	vst v63  }
0x90: {  	s14 =	sor.u32 $0x130, s14  }
0x91: {  	[tilespmem:s2], [sflag:$0x1] =	stream.indirect_vreg.gather [hbm4b:s1+s12], $0x80, v3, vm0, $0xb8;
	[tilespmem:$0x11000] =	vst v63  }
0x92: {  	v3 =	vld [tilespmem:s14+$0x0];
	_ =	sdelay $0x4  }
0x93: {  	v4 =	vshll.u32 v3, $0x1  }
0x94: {  	v3 =	vand.u32 $0x7, v3;
	v4 =	vand.u32 $0xFFFFFFF0, v4  }
0x95: {  	v3 =	vor.u32 v3, v4  }
0x96: {  	v4 =	vperm.xlane v3, v0;
	_ =	sdelay $0x1  }
0x97: {  	v3 =	vperm.xlane v3, v2;
	v4 =	vadd.s32 v1, v4;
	_ =	sdelay $0x1  }
0x98: {  	v3 =	vadd.s32 v1, v3;
	_ =	sdelay $0x2  }
0x99: {  	[tilespmem:s10], [sflag:$0x1] =	stream.indirect_vreg.gather [hbm4b:s1+s12], $0x80, v4, vm0, $0xb8;
	[tilespmem:$0x11000] =	vst v63  }
0x9a: {  	_ = 	snop  }
0x9b: {  	[tilespmem:s5], [sflag:$0x1] =	stream.indirect_vreg.gather [hbm4b:s1+s12], $0x80, v3, vm0, $0xb8;
	[tilespmem:$0x11000] =	vst v63  }
0x9c: {  	_ =	swait.ge [sflag:s6], $0x4000  }
0x9d: {  	[sflag:s6] =	ssyncset.done $0x0  }
0x9e: {  	[sflag:s6] =	ssyncadd.s32 $0xFFFFC000  }
0x9f: {  	_ =	swait.ge [sflag:s6], $0x4000  }
0xa0: {  	[sflag:s6] =	ssyncset.done $0x0  }
0xa1: {  	[sflag:s6] =	ssyncadd.s32 $0xFFFFC000  }
0xa2: {  	_ =	swait.ge [sflag:s6], $0x4000  }
0xa3: {  	s13 =	sor.u32 $0x800, s13;
	[sflag:s6] =	ssyncset.done $0x0  }
0xa4: {  	s14 =	simm.s32 $0x0;
	v3 =	vmov s13;
	s13 =	simm.s32 $0x0;
	[sflag:s6] =	ssyncadd.s32 $0xFFFFC000  }
.LBB2_3:
0xa5: {  	_ =	sdelay $0x2  }
0xa6: {  	s15 =	sshll.u32 s14, $0x4  }
0xa7: {  	v5 =	vld.idx.msk [tilespmem:v3+s15+$0x0 ss:$0x1], $0xffff  }
0xa8: {  	s16 =	sand.u32 $0x3800, s13;
	s17 =	sand.u32 $0x380, s12;
	v6 =	vld.idx.msk [tilespmem:v3+s15+$0x80 ss:$0x1], $0xffff  }
0xa9: {  	v4 =	vld.idx.msk [tilespmem:v3+s15+$0x100 ss:$0x1], $0xffff;
	s16 =	sor.u32 s17, s16  }
0xaa: {  	v10 =	vld [tilespmem:s16+$0x9050]  }
0xab: {  	v11 =	vld [tilespmem:s16+$0x1020]  }
0xac: {  	v12 =	vld [tilespmem:s16+$0x9040]  }
0xad: {  	v13 =	vld [tilespmem:s16+$0x5050]  }
0xae: {  	v14 =	vld [tilespmem:s16+$0x9010]  }
0xaf: {  	v16 =	vld [tilespmem:s16+$0x5030]  }
0xb0: {  	v19 =	vld [tilespmem:s16+$0x5020]  }
0xb1: {  	v23 =	vld [tilespmem:s16+$0x5010]  }
0xb2: {  	v15 =	vld [tilespmem:s16+$0x1050]  }
0xb3: {  	v24 =	vld [tilespmem:s16+$0x1010]  }
0xb4: {  	v17 =	vld [tilespmem:s16+$0x1040]  }
0xb5: {  	v21 =	vld [tilespmem:s16+$0x5040]  }
0xb6: {  	v25 =	vld [tilespmem:s16+$0x5070]  }
0xb7: {  	v26 =	vld [tilespmem:s16+$0x9030]  }
0xb8: {  	v27 =	vld [tilespmem:s16+$0x1060]  }
0xb9: {  	v7 =	vmov s12;
	v28 =	vld [tilespmem:s16+$0x1000]  }
0xba: {  	v7 =	vand.u32 $0xF, v7;
	v30 =	vld [tilespmem:s16+$0x9070]  }
0xbb: {  	v31 =	vld [tilespmem:s16+$0x5000];
	v7 =	vbroadcast v7, $0x0  }
0xbc: {  	s21 =	sadd.s32 $0x100, s13;
	s17 =	simm.s32 $0x80;
	v32 =	vld [tilespmem:s16+$0x9000]  }
0xbd: {  	s24 =	sand.u32 $0x3800, s21;
	v33 =	vld [tilespmem:s16+$0x9020];
	s18 =	sand.u32 $0x380, s17;
	v20 =	vperm.xlane v5, v7;
	v8 =	vperm.xlane v6, v7  }
0xbe: {  	v35 =	vld [tilespmem:s16+$0x1030];
	s15 =	sor.u32 s18, s24;
	v9 =	vperm.xlane v4, v7  }
0xbf: {  	v18 =	vld [tilespmem:s15+$0x1020];
	v13 =	vmul.f32 v13, v8;
	v15 =	vmul.f32 v15, v20  }
0xc0: {  	v7 =	vld [tilespmem:s15+$0x9050];
	v36 =	vmul.f32 v17, v20  }
0xc1: {  	v17 =	vld [tilespmem:s15+$0x9040];
	v21 =	vmul.f32 v21, v8;
	v10 =	vmul.f32 v10, v9;
	v37 =	vadd.f32 v13, v15  }
0xc2: {  	v38 =	vmul.f32 v16, v8;
	v12 =	vmul.f32 v12, v9;
	v16 =	vld [tilespmem:s15+$0x9060]  }
0xc3: {  	v35 =	vmul.f32 v35, v20;
	v15 =	vld [tilespmem:s15+$0x5050];
	v36 =	vadd.f32 v21, v36;
	v10 =	vadd.f32 v10, v37  }
0xc4: {  	v49 =	vmul.f32 v19, v8;
	v11 =	vmul.f32 v11, v20;
	v13 =	vld [tilespmem:s15+$0x9010]  }
0xc5: {  	v21 =	vld [tilespmem:s15+$0x5030];
	v12 =	vadd.f32 v12, v36;
	[tilespmem:s16+$0xD050] =	vst v10;
	v10 =	vmul.f32 v23, v8;
	v23 =	vmul.f32 v24, v20  }
0xc6: {  	v34 =	vld [tilespmem:s16+$0x1070];
	v26 =	vmul.f32 v26, v9;
	v35 =	vadd.f32 v38, v35;
	v11 =	vadd.f32 v49, v11  }
0xc7: {  	v24 =	vmul.f32 v33, v9;
	v19 =	vld [tilespmem:s15+$0x5020];
	[tilespmem:s16+$0xD040] =	vst v12;
	v12 =	vmul.f32 v14, v9;
	v10 =	vadd.f32 v10, v23  }
0xc8: {  	v29 =	vld [tilespmem:s16+$0x5060];
	v26 =	vadd.f32 v26, v35;
	v23 =	vmul.f32 v28, v20;
	v28 =	vmul.f32 v31, v8  }
0xc9: {  	v11 =	vadd.f32 v24, v11;
	v10 =	vadd.f32 v12, v10  }
0xca: {  	v22 =	vld [tilespmem:s16+$0x9060];
	v12 =	vmul.f32 v25, v8;
	v23 =	vadd.f32 v28, v23;
	v25 =	vmul.f32 v32, v9  }
0xcb: {  	v14 =	vld [tilespmem:s15+$0x5010];
	[tilespmem:s16+$0xD030] =	vst v26;
	v26 =	vmul.f32 v34, v20  }
0xcc: {  	v24 =	vld [tilespmem:s15+$0x1050];
	[tilespmem:s16+$0xD020] =	vst v11;
	v11 =	vmul.f32 v30, v9;
	v23 =	vadd.f32 v25, v23  }
0xcd: {  	v28 =	vld [tilespmem:s15+$0x1010];
	v12 =	vadd.f32 v12, v26;
	[tilespmem:s16+$0xD010] =	vst v10;
	v10 =	vmul.f32 v27, v20;
	v25 =	vmul.f32 v29, v8;
	_ =	sdelay $0x1  }
0xce: {  	v11 =	vadd.f32 v11, v12;
	v12 =	vmul.f32 v22, v9;
	v10 =	vadd.f32 v25, v10  }
0xcf: {  	v26 =	vld [tilespmem:s15+$0x1040];
	[tilespmem:s16+$0xD000] =	vst v23  }
0xd0: {  	s25 =	sand.u32 $0xFFFFF800, s13;
	v22 =	vld [tilespmem:s15+$0x5040];
	v10 =	vadd.f32 v12, v10  }
0xd1: {  	s18 =	sadd.s32 $0x0, s25;
	[tilespmem:s16+$0xD070] =	vst v11;
	v11 =	vld [tilespmem:s16+$0x1400]  }
0xd2: {  	s23 =	sor.u32 $0x4400, s18;
	v23 =	vld [tilespmem:s15+$0x5070];
	[tilespmem:s16+$0xD060] =	vst v10  }
0xd3: {  	v10 =	vld [tilespmem:s23+$0x1000]  }
0xd4: {  	s22 =	sor.u32 $0x8400, s18  }
0xd5: {  	v12 =	vld [tilespmem:s22+$0x1000];
	_ =	sdelay $0x2  }
0xd6: {  	v25 =	vld [tilespmem:s15+$0x9030];
	v11 =	vmul.f32 v11, v20;
	v10 =	vmul.f32 v10, v8  }
0xd7: {  	v27 =	vld [tilespmem:s15+$0x1060]  }
0xd8: {  	v29 =	vld [tilespmem:s15+$0x1000];
	v12 =	vmul.f32 v12, v9;
	v10 =	vadd.f32 v10, v11  }
0xd9: {  	v30 =	vld [tilespmem:s15+$0x5060]  }
0xda: {  	v31 =	vld [tilespmem:s15+$0x9070];
	v10 =	vadd.f32 v12, v10  }
0xdb: {  	v50 =	vld [tilespmem:s15+$0x5000]  }
0xdc: {  	v11 =	vld [tilespmem:s16+$0x1410];
	[tilespmem:s16+$0xD400] =	vst v10  }
0xdd: {  	v10 =	vld [tilespmem:s23+$0x1010];
	_ =	sdelay $0x1  }
0xde: {  	v12 =	vld [tilespmem:s22+$0x1010];
	_ =	sdelay $0x2  }
0xdf: {  	v11 =	vmul.f32 v11, v20;
	v10 =	vmul.f32 v10, v8;
	_ =	sdelay $0x1  }
0xe0: {  	v12 =	vmul.f32 v12, v9;
	v10 =	vadd.f32 v10, v11;
	_ =	sdelay $0x1  }
0xe1: {  	v10 =	vadd.f32 v12, v10  }
0xe2: {  	v51 =	vld [tilespmem:s15+$0x9000]  }
0xe3: {  	[tilespmem:s16+$0xD410] =	vst v10;
	v10 =	vld [tilespmem:s16+$0x1420]  }
0xe4: {  	v11 =	vld [tilespmem:s23+$0x1020];
	_ =	sdelay $0x1  }
0xe5: {  	v12 =	vld [tilespmem:s22+$0x1020];
	_ =	sdelay $0x2  }
0xe6: {  	v10 =	vmul.f32 v10, v20;
	v11 =	vmul.f32 v11, v8;
	_ =	sdelay $0x1  }
0xe7: {  	v12 =	vmul.f32 v12, v9;
	v10 =	vadd.f32 v11, v10;
	_ =	sdelay $0x1  }
0xe8: {  	v10 =	vadd.f32 v12, v10;
	_ =	sdelay $0x1  }
0xe9: {  	[tilespmem:s16+$0xD420] =	vst v10;
	v10 =	vld [tilespmem:s16+$0x1430]  }
0xea: {  	v11 =	vld [tilespmem:s23+$0x1030];
	_ =	sdelay $0x1  }
0xeb: {  	v12 =	vld [tilespmem:s22+$0x1030];
	_ =	sdelay $0x2  }
0xec: {  	v10 =	vmul.f32 v10, v20;
	v11 =	vmul.f32 v11, v8;
	_ =	sdelay $0x1  }
0xed: {  	v12 =	vmul.f32 v12, v9;
	v10 =	vadd.f32 v11, v10;
	_ =	sdelay $0x1  }
0xee: {  	v10 =	vadd.f32 v12, v10  }
0xef: {  	v52 =	vld [tilespmem:s15+$0x9020]  }
0xf0: {  	[tilespmem:s16+$0xD430] =	vst v10;
	v10 =	vld [tilespmem:s16+$0x1440]  }
0xf1: {  	v11 =	vld [tilespmem:s23+$0x1040];
	_ =	sdelay $0x1  }
0xf2: {  	v12 =	vld [tilespmem:s22+$0x1040];
	_ =	sdelay $0x2  }
0xf3: {  	v10 =	vmul.f32 v10, v20;
	v11 =	vmul.f32 v11, v8;
	_ =	sdelay $0x1  }
0xf4: {  	v12 =	vmul.f32 v12, v9;
	v10 =	vadd.f32 v11, v10;
	_ =	sdelay $0x1  }
0xf5: {  	v10 =	vadd.f32 v12, v10;
	_ =	sdelay $0x1  }
0xf6: {  	[tilespmem:s16+$0xD440] =	vst v10;
	v10 =	vld [tilespmem:s16+$0x1450]  }
0xf7: {  	v11 =	vld [tilespmem:s23+$0x1050];
	_ =	sdelay $0x1  }
0xf8: {  	v12 =	vld [tilespmem:s22+$0x1050];
	_ =	sdelay $0x2  }
0xf9: {  	s26 =	simm.s32 $0x1;
	v10 =	vmul.f32 v10, v20;
	v11 =	vmul.f32 v11, v8  }
0xfa: {  	v53 =	vmov s26  }
0xfb: {  	v12 =	vmul.f32 v12, v9;
	v10 =	vadd.f32 v11, v10;
	v11 =	vand.u32 $0xF, v53  }
0xfc: {  	v55 =	vbroadcast v11, $0x0  }
0xfd: {  	v54 =	vld [tilespmem:s16+$0x1460];
	v10 =	vadd.f32 v12, v10  }
0xfe: {  	v56 =	vld [tilespmem:s15+$0x1070];
	v11 =	vperm.xlane v6, v55  }
0xff: {  	v57 =	vld [tilespmem:s15+$0x1030];
	v12 =	vperm.xlane v5, v55;
	[tilespmem:s16+$0xD450] =	vst v10  }
0x100: {  	v10 =	vperm.xlane v4, v55;
	v58 =	vld [tilespmem:s23+$0x1060];
	v14 =	vmul.f32 v14, v11  }
0x101: {  	v28 =	vmul.f32 v28, v12;
	v26 =	vmul.f32 v26, v12  }
0x102: {  	v39 =	vld [tilespmem:s22+$0x1060];
	v22 =	vmul.f32 v22, v11;
	v60 =	vmul.f32 v15, v11  }
0x103: {  	s20 =	sadd.s32 $0x100, s21;
	s18 =	simm.s32 $0x100;
	v24 =	vmul.f32 v24, v12;
	v19 =	vmul.f32 v19, v11  }
0x104: {  	s19 =	sand.u32 $0x3800, s20;
	s24 =	sand.u32 $0x380, s18;
	v61 =	vmul.f32 v18, v12;
	v29 =	vmul.f32 v29, v12  }
0x105: {  	v40 =	vld [tilespmem:s16+$0x1470];
	s19 =	sor.u32 s24, s19;
	v14 =	vadd.f32 v14, v28;
	v28 =	vmul.f32 v54, v20;
	v59 =	vmul.f32 v58, v8  }
0x106: {  	v15 =	vld [tilespmem:s19+$0x1020];
	v27 =	vmul.f32 v27, v12;
	v21 =	vmul.f32 v21, v11  }
0x107: {  	v18 =	vld [tilespmem:s19+$0x5050];
	v26 =	vadd.f32 v22, v26;
	v22 =	vmul.f32 v39, v9;
	v28 =	vadd.f32 v59, v28  }
0x108: {  	v13 =	vmul.f32 v13, v10;
	v41 =	vmul.f32 v16, v10;
	v16 =	vld [tilespmem:s19+$0x9040];
	v24 =	vadd.f32 v60, v24  }
0x109: {  	v7 =	vmul.f32 v7, v10;
	v35 =	vadd.f32 v19, v61;
	v19 =	vld [tilespmem:s19+$0x9060];
	v28 =	vadd.f32 v22, v28  }
0x10a: {  	v63 =	vmul.f32 v56, v12;
	v17 =	vmul.f32 v17, v10;
	v13 =	vadd.f32 v13, v14;
	v14 =	vld [tilespmem:s19+$0x9050]  }
0x10b: {  	v7 =	vadd.f32 v7, v24;
	v24 =	vmul.f32 v30, v11;
	v22 =	vld [tilespmem:s19+$0x9010];
	[tilespmem:s16+$0xD460] =	vst v28;
	v28 =	vmul.f32 v50, v11  }
0x10c: {  	v62 =	vmul.f32 v25, v10;
	v17 =	vadd.f32 v17, v26;
	v26 =	vmul.f32 v57, v12;
	v30 =	vld [tilespmem:s23+$0x1070]  }
0x10d: {  	s28 =	simm.s32 $0x2;
	v27 =	vadd.f32 v24, v27;
	v24 =	vld [tilespmem:s19+$0x5030];
	v25 =	vadd.f32 v28, v29;
	v28 =	vmul.f32 v51, v10  }
0x10e: {  	v26 =	vadd.f32 v21, v26;
	v21 =	vmov s28;
	v29 =	vld [tilespmem:s22+$0x1070];
	[tilespmem:s15+$0xD050] =	vst v7;
	v7 =	vmul.f32 v23, v11  }
0x10f: {  	v23 =	vand.u32 $0xF, v21;
	v21 =	vadd.f32 v28, v25;
	v28 =	vmul.f32 v52, v10  }
0x110: {  	v25 =	vbroadcast v23, $0x0;
	v23 =	vld [tilespmem:s19+$0x5020];
	v33 =	vadd.f32 v7, v63;
	[tilespmem:s15+$0xD040] =	vst v17;
	v17 =	vmul.f32 v31, v10  }
0x111: {  	v32 =	vadd.f32 v62, v26  }
0x112: {  	v26 =	vadd.f32 v28, v35;
	v31 =	vadd.f32 v17, v33;
	v17 =	vperm.xlane v6, v25  }
0x113: {  	s21 =	sand.u32 $0xFFFFF800, s21;
	v20 =	vmul.f32 v40, v20;
	s23 =	sand.u32 $0xFFFFF800, s20;
	s22 =	simm.s32 $0x3;
	v28 =	vadd.f32 v41, v27;
	v7 =	vperm.xlane v5, v25;
	v27 =	vld [tilespmem:s19+$0x5010];
	[tilespmem:s15+$0xD030] =	vst v32  }
.LBB2_4:
0x114: {  	p0 =	sne.s32 s22, $0xF;
	v32 =	vld [tilespmem:s19+$0x1050];
	[tilespmem:s15+$0xD020] =	vst v26;
	v26 =	vmul.f32 v30, v8;
	v8 =	vmov v11;
	v11 =	vmov v17;
	s24 =	smov.u32 s22;
	s22 =	sadd.s32 $0x1, s22  }
0x115: {  	v30 =	vld [tilespmem:s19+$0x1010];
	[tilespmem:s15+$0xD010] =	vst v13;
	v13 =	vmul.f32 v29, v9;
	v9 =	vmov v10;
	v10 =	vperm.xlane v4, v25  }
0x116: {  	v25 =	vld [tilespmem:s19+$0x1040];
	[tilespmem:s15+$0xD000] =	vst v21;
	v20 =	vadd.f32 v26, v20  }
0x117: {  	v21 =	vld [tilespmem:s19+$0x5040];
	v17 =	vmul.f32 v19, v10  }
0x118: {  	s26 =	sadd.s32 s21, s17;
	s17 =	smov.u32 s18;
	s21 =	smov.u32 s23;
	v22 =	vmul.f32 v22, v10;
	v26 =	vmul.f32 v27, v11;
	[tilespmem:s15+$0xD070] =	vst v31;
	v27 =	vld [tilespmem:s15+$0x1400];
	v13 =	vadd.f32 v13, v20  }
0x119: {  	s25 =	sor.u32 $0x4400, s26;
	v20 =	vld [tilespmem:s19+$0x5070];
	[tilespmem:s15+$0xD060] =	vst v28  }
0x11a: {  	v19 =	vmul.f32 v24, v11;
	v28 =	vmul.f32 v30, v7;
	v24 =	vld [tilespmem:s19+$0x9030];
	[tilespmem:s16+$0xD470] =	vst v13;
	s16 =	smov.u32 s15;
	s15 =	smov.u32 s19  }
0x11b: {  	s26 =	sor.u32 $0x8400, s26;
	v16 =	vmul.f32 v16, v10;
	v25 =	vmul.f32 v25, v7;
	v29 =	vld [tilespmem:s25+$0x1000]  }
0x11c: {  	v18 =	vmul.f32 v18, v11;
	v23 =	vmul.f32 v23, v11;
	v13 =	vadd.f32 v26, v28;
	v26 =	vld [tilespmem:s26+$0x1000]  }
0x11d: {  	v21 =	vmul.f32 v21, v11;
	v28 =	vmul.f32 v32, v7;
	v30 =	vld [tilespmem:s15+$0x1060]  }
0x11e: {  	v15 =	vmul.f32 v15, v7;
	v27 =	vmul.f32 v27, v12;
	v31 =	vld [tilespmem:s15+$0x1000];
	v13 =	vadd.f32 v22, v13  }
0x11f: {  	v14 =	vmul.f32 v14, v10;
	v21 =	vadd.f32 v21, v25;
	v18 =	vadd.f32 v18, v28;
	v25 =	vld [tilespmem:s15+$0x5060]  }
0x120: {  	v28 =	vadd.f32 v23, v15;
	v22 =	vmul.f32 v24, v10;
	v15 =	vld [tilespmem:s15+$0x9070];
	v24 =	vmul.f32 v29, v8  }
0x121: {  	v23 =	vadd.f32 v14, v18;
	v18 =	vmul.f32 v20, v11;
	v14 =	vmul.f32 v26, v9  }
0x122: {  	v20 =	vadd.f32 v16, v21;
	v16 =	vadd.f32 v24, v27  }
0x123: {  	v21 =	vmul.f32 v31, v7  }
0x124: {  	v14 =	vadd.f32 v14, v16  }
0x125: {  	v16 =	vmul.f32 v30, v7;
	v26 =	vld [tilespmem:s16+$0x1410]  }
0x126: {  	v25 =	vmul.f32 v25, v11;
	v27 =	vld [tilespmem:s15+$0x5000];
	[tilespmem:s16+$0xD400] =	vst v14  }
0x127: {  	v24 =	vmul.f32 v15, v10;
	v14 =	vld [tilespmem:s25+$0x1010]  }
0x128: {  	v15 =	vadd.f32 v25, v16;
	v16 =	vld [tilespmem:s26+$0x1010]  }
0x129: {  	v25 =	vld [tilespmem:s15+$0x9000];
	_ =	sdelay $0x1  }
0x12a: {  	v26 =	vmul.f32 v26, v12  }
0x12b: {  	v27 =	vmul.f32 v27, v11;
	v14 =	vmul.f32 v14, v8  }
0x12c: {  	v16 =	vmul.f32 v16, v9  }
0x12d: {  	v21 =	vadd.f32 v27, v21;
	v25 =	vmul.f32 v25, v10;
	v14 =	vadd.f32 v14, v26;
	_ =	sdelay $0x1  }
0x12e: {  	v21 =	vadd.f32 v25, v21;
	v14 =	vadd.f32 v16, v14;
	_ =	sdelay $0x1  }
0x12f: {  	[tilespmem:s16+$0xD410] =	vst v14;
	v14 =	vld [tilespmem:s16+$0x1420]  }
0x130: {  	v16 =	vld [tilespmem:s25+$0x1020]  }
0x131: {  	v25 =	vld [tilespmem:s26+$0x1020];
	_ =	sdelay $0x2  }
0x132: {  	v14 =	vmul.f32 v14, v12  }
0x133: {  	v16 =	vmul.f32 v16, v8  }
0x134: {  	v25 =	vmul.f32 v25, v9  }
0x135: {  	v14 =	vadd.f32 v16, v14;
	_ =	sdelay $0x1  }
0x136: {  	v14 =	vadd.f32 v25, v14;
	_ =	sdelay $0x1  }
0x137: {  	[tilespmem:s16+$0xD420] =	vst v14;
	v14 =	vld [tilespmem:s16+$0x1430]  }
0x138: {  	v16 =	vld [tilespmem:s25+$0x1030]  }
0x139: {  	v25 =	vld [tilespmem:s26+$0x1030];
	_ =	sdelay $0x1  }
0x13a: {  	v26 =	vld [tilespmem:s15+$0x9020]  }
0x13b: {  	v14 =	vmul.f32 v14, v12  }
0x13c: {  	v16 =	vmul.f32 v16, v8  }
0x13d: {  	v25 =	vmul.f32 v25, v9  }
0x13e: {  	v14 =	vadd.f32 v16, v14;
	_ =	sdelay $0x1  }
0x13f: {  	v16 =	vmul.f32 v26, v10;
	v14 =	vadd.f32 v25, v14;
	_ =	sdelay $0x1  }
0x140: {  	v26 =	vadd.f32 v16, v28;
	[tilespmem:s16+$0xD430] =	vst v14;
	v14 =	vld [tilespmem:s16+$0x1440]  }
0x141: {  	v16 =	vld [tilespmem:s25+$0x1040]  }
0x142: {  	v25 =	vld [tilespmem:s26+$0x1040];
	_ =	sdelay $0x2  }
0x143: {  	v14 =	vmul.f32 v14, v12  }
0x144: {  	v16 =	vmul.f32 v16, v8  }
0x145: {  	v25 =	vmul.f32 v25, v9  }
0x146: {  	v14 =	vadd.f32 v16, v14;
	_ =	sdelay $0x1  }
0x147: {  	v14 =	vadd.f32 v25, v14;
	_ =	sdelay $0x1  }
0x148: {  	[tilespmem:s16+$0xD440] =	vst v14;
	v14 =	vld [tilespmem:s16+$0x1450]  }
0x149: {  	v16 =	vld [tilespmem:s25+$0x1050]  }
0x14a: {  	v25 =	vld [tilespmem:s26+$0x1050];
	_ =	sdelay $0x2  }
0x14b: {  	v14 =	vmul.f32 v14, v12  }
0x14c: {  	v16 =	vmul.f32 v16, v8  }
0x14d: {  	v25 =	vmul.f32 v25, v9  }
0x14e: {  	v14 =	vadd.f32 v16, v14;
	_ =	sdelay $0x1  }
0x14f: {  	v14 =	vadd.f32 v25, v14;
	v16 =	vld [tilespmem:s16+$0x1460]  }
0x150: {  	v25 =	vld [tilespmem:s15+$0x1070]  }
0x151: {  	v27 =	vld [tilespmem:s15+$0x1030];
	[tilespmem:s16+$0xD450] =	vst v14  }
0x152: {  	v14 =	vld [tilespmem:s25+$0x1060]  }
0x153: {  	v29 =	vld [tilespmem:s26+$0x1060];
	_ =	sdelay $0x1  }
0x154: {  	s18 =	sadd.s32 $0x80, s18;
	s20 =	sadd.s32 $0x100, s20  }
0x155: {  	s23 =	sand.u32 $0xFFFFF800, s20;
	s28 =	sand.u32 $0x380, s18;
	s19 =	sand.u32 $0x3800, s20;
	v16 =	vmul.f32 v16, v12  }
0x156: {  	s19 =	sor.u32 s28, s19;
	v27 =	vmul.f32 v27, v7;
	v30 =	vmul.f32 v14, v8;
	v32 =	vld [tilespmem:s16+$0x1470]  }
0x157: {  	v28 =	vadd.f32 v17, v15;
	v17 =	vmul.f32 v25, v7;
	v14 =	vld [tilespmem:s19+$0x9050];
	v25 =	vmul.f32 v29, v9  }
0x158: {  	v19 =	vadd.f32 v19, v27;
	v15 =	vld [tilespmem:s19+$0x1020];
	v27 =	vadd.f32 v30, v16  }
0x159: {  	v17 =	vadd.f32 v18, v17;
	v16 =	vld [tilespmem:s19+$0x9040]  }
0x15a: {  	v33 =	vadd.f32 v22, v19;
	v18 =	vld [tilespmem:s19+$0x5050];
	v25 =	vadd.f32 v25, v27  }
0x15b: {  	v19 =	vmov s24;
	v22 =	vld [tilespmem:s19+$0x9010]  }
0x15c: {  	v31 =	vadd.f32 v24, v17;
	v27 =	vand.u32 $0xF, v19;
	v19 =	vld [tilespmem:s19+$0x9060];
	[tilespmem:s16+$0xD460] =	vst v25  }
.Ltmp0:
0x15d: {  	v25 =	vbroadcast v27, $0x0;
	v30 =	vld [tilespmem:s25+$0x1070];
	(pc) =	sbr.rel @p0 .LBB2_4-.Ltmp0, $4  }
0x15e: {  	v29 =	vld [tilespmem:s26+$0x1070]  }
0x15f: {  	v34 =	vperm.xlane v5, v25;
	v24 =	vld [tilespmem:s19+$0x5030];
	[tilespmem:s15+$0xD050] =	vst v23  }
0x160: {  	v17 =	vperm.xlane v6, v25;
	v23 =	vld [tilespmem:s19+$0x5020];
	[tilespmem:s15+$0xD040] =	vst v20  }
0x161: {  	v20 =	vmul.f32 v32, v12;
	v12 =	vmov v7;
	v7 =	vmov v34;
	v27 =	vld [tilespmem:s19+$0x5010];
	[tilespmem:s15+$0xD030] =	vst v33  }
0x162: {  	v5 =	vld [tilespmem:s19+$0x1050];
	v8 =	vmul.f32 v30, v8  }
0x163: {  	[tilespmem:s15+$0xD020] =	vst v26;
	v61 =	vld [tilespmem:s15+$0x1400]  }
0x164: {  	v6 =	vld [tilespmem:s19+$0x1010];
	[tilespmem:s15+$0xD010] =	vst v13;
	v9 =	vmul.f32 v29, v9;
	v8 =	vadd.f32 v8, v20  }
0x165: {  	v13 =	vld [tilespmem:s19+$0x1040];
	[tilespmem:s15+$0xD000] =	vst v21  }
0x166: {  	v21 =	vld [tilespmem:s19+$0x5040];
	[tilespmem:s15+$0xD070] =	vst v31;
	v8 =	vadd.f32 v9, v8  }
0x167: {  	s20 =	sadd.s32 s21, s17;
	v26 =	vld [tilespmem:s19+$0x5070];
	[tilespmem:s15+$0xD060] =	vst v28  }
0x168: {  	s17 =	sor.u32 $0x4400, s20;
	v62 =	vld [tilespmem:s19+$0x9030];
	[tilespmem:s16+$0xD470] =	vst v8  }
0x169: {  	v8 =	vld [tilespmem:s17+$0x1000]  }
0x16a: {  	s24 =	sor.u32 $0x8400, s20  }
0x16b: {  	v28 =	vld [tilespmem:s24+$0x1000];
	_ =	sdelay $0x2  }
0x16c: {  	v20 =	vmul.f32 v61, v12;
	v8 =	vmul.f32 v8, v11  }
0x16d: {  	v29 =	vld [tilespmem:s19+$0x1060]  }
0x16e: {  	v63 =	vld [tilespmem:s19+$0x1000];
	v28 =	vmul.f32 v28, v10;
	v8 =	vadd.f32 v8, v20  }
0x16f: {  	v31 =	vld [tilespmem:s19+$0x5060]  }
0x170: {  	v39 =	vld [tilespmem:s15+$0x1410];
	v8 =	vadd.f32 v28, v8  }
0x171: {  	v32 =	vld [tilespmem:s19+$0x5000]  }
0x172: {  	v20 =	vld [tilespmem:s19+$0x9070];
	[tilespmem:s15+$0xD400] =	vst v8  }
0x173: {  	v8 =	vld [tilespmem:s17+$0x1010];
	_ =	sdelay $0x1  }
0x174: {  	v33 =	vld [tilespmem:s24+$0x1010];
	_ =	sdelay $0x2  }
0x175: {  	v28 =	vmul.f32 v39, v12;
	v8 =	vmul.f32 v8, v11;
	_ =	sdelay $0x1  }
0x176: {  	v33 =	vmul.f32 v33, v10;
	v8 =	vadd.f32 v8, v28;
	_ =	sdelay $0x1  }
0x177: {  	v8 =	vadd.f32 v33, v8  }
0x178: {  	v41 =	vld [tilespmem:s15+$0x1420]  }
0x179: {  	v40 =	vld [tilespmem:s19+$0x9000];
	[tilespmem:s15+$0xD410] =	vst v8  }
0x17a: {  	v42 =	vld [tilespmem:s17+$0x1020];
	_ =	sdelay $0x1  }
0x17b: {  	v34 =	vld [tilespmem:s24+$0x1020];
	_ =	sdelay $0x2  }
0x17c: {  	v8 =	vmul.f32 v41, v12;
	v33 =	vmul.f32 v42, v11;
	_ =	sdelay $0x1  }
0x17d: {  	v34 =	vmul.f32 v34, v10;
	v8 =	vadd.f32 v33, v8;
	_ =	sdelay $0x1  }
0x17e: {  	v8 =	vadd.f32 v34, v8;
	_ =	sdelay $0x1  }
0x17f: {  	v43 =	vld [tilespmem:s15+$0x1430];
	[tilespmem:s15+$0xD420] =	vst v8  }
0x180: {  	v44 =	vld [tilespmem:s17+$0x1030];
	_ =	sdelay $0x1  }
0x181: {  	v45 =	vld [tilespmem:s24+$0x1030];
	_ =	sdelay $0x2  }
0x182: {  	v8 =	vmul.f32 v43, v12;
	v33 =	vmul.f32 v44, v11;
	_ =	sdelay $0x1  }
0x183: {  	v34 =	vmul.f32 v45, v10;
	v8 =	vadd.f32 v33, v8;
	_ =	sdelay $0x1  }
0x184: {  	v8 =	vadd.f32 v34, v8  }
0x185: {  	v47 =	vld [tilespmem:s15+$0x1440]  }
0x186: {  	v46 =	vld [tilespmem:s19+$0x9020];
	[tilespmem:s15+$0xD430] =	vst v8  }
0x187: {  	v48 =	vld [tilespmem:s17+$0x1040];
	_ =	sdelay $0x1  }
0x188: {  	v35 =	vld [tilespmem:s24+$0x1040];
	_ =	sdelay $0x2  }
0x189: {  	v8 =	vmul.f32 v47, v12;
	v34 =	vmul.f32 v48, v11;
	_ =	sdelay $0x1  }
0x18a: {  	v35 =	vmul.f32 v35, v10;
	v8 =	vadd.f32 v34, v8;
	_ =	sdelay $0x1  }
0x18b: {  	v8 =	vadd.f32 v35, v8;
	_ =	sdelay $0x1  }
0x18c: {  	v49 =	vld [tilespmem:s15+$0x1450];
	[tilespmem:s15+$0xD440] =	vst v8  }
0x18d: {  	v50 =	vld [tilespmem:s17+$0x1050];
	_ =	sdelay $0x1  }
0x18e: {  	v51 =	vld [tilespmem:s24+$0x1050];
	_ =	sdelay $0x2  }
0x18f: {  	v8 =	vmul.f32 v49, v12;
	v34 =	vmul.f32 v50, v11;
	_ =	sdelay $0x1  }
0x190: {  	v35 =	vmul.f32 v51, v10;
	v8 =	vadd.f32 v34, v8;
	_ =	sdelay $0x1  }
0x191: {  	v52 =	vld [tilespmem:s15+$0x1460];
	v8 =	vadd.f32 v35, v8  }
0x192: {  	v53 =	vld [tilespmem:s19+$0x1070]  }
0x193: {  	v36 =	vld [tilespmem:s19+$0x1030];
	[tilespmem:s15+$0xD450] =	vst v8  }
0x194: {  	v8 =	vld [tilespmem:s17+$0x1060]  }
0x195: {  	v4 =	vperm.xlane v4, v25  }
0x196: {  	v18 =	vmul.f32 v18, v17;
	v55 =	vld [tilespmem:s24+$0x1060]  }
0x197: {  	v15 =	vmul.f32 v15, v7;
	v22 =	vmul.f32 v22, v4  }
0x198: {  	v14 =	vmul.f32 v14, v4;
	v59 =	vmul.f32 v24, v17  }
0x199: {  	v56 =	vmul.f32 v52, v12;
	v8 =	vmul.f32 v8, v11  }
0x19a: {  	v16 =	vmul.f32 v16, v4;
	v58 =	vmul.f32 v23, v17  }
0x19b: {  	v5 =	vmul.f32 v5, v7;
	v57 =	vmul.f32 v55, v10;
	v8 =	vadd.f32 v8, v56  }
0x19c: {  	v54 =	vmul.f32 v27, v17;
	v15 =	vadd.f32 v58, v15;
	v6 =	vmul.f32 v6, v7  }
0x19d: {  	v13 =	vmul.f32 v13, v7;
	v5 =	vadd.f32 v18, v5;
	v8 =	vadd.f32 v57, v8  }
0x19e: {  	v6 =	vadd.f32 v54, v6;
	v21 =	vmul.f32 v21, v17;
	v9 =	vmul.f32 v62, v4  }
0x19f: {  	v61 =	vld [tilespmem:s15+$0x1470];
	v5 =	vadd.f32 v14, v5;
	v62 =	vmul.f32 v26, v17;
	v60 =	vmul.f32 v36, v7;
	[tilespmem:s15+$0xD460] =	vst v8  }
0x1a0: {  	v13 =	vadd.f32 v21, v13;
	v63 =	vmul.f32 v63, v7;
	v38 =	vmul.f32 v29, v7;
	v30 =	vld [tilespmem:s17+$0x1070]  }
0x1a1: {  	v40 =	vmul.f32 v40, v4;
	v18 =	vadd.f32 v59, v60;
	v34 =	vmul.f32 v32, v17  }
0x1a2: {  	v13 =	vadd.f32 v16, v13;
	v41 =	vmul.f32 v31, v17;
	v36 =	vmul.f32 v46, v4;
	v37 =	vld [tilespmem:s24+$0x1070]  }
0x1a3: {  	v39 =	vmul.f32 v53, v7;
	v9 =	vadd.f32 v9, v18;
	[tilespmem:s19+$0xD050] =	vst v5;
	v5 =	vadd.f32 v34, v63  }
0x1a4: {  	v42 =	vmul.f32 v20, v4;
	v43 =	vmul.f32 v61, v12;
	v15 =	vadd.f32 v36, v15;
	[tilespmem:s19+$0xD040] =	vst v13  }
0x1a5: {  	v8 =	vadd.f32 v62, v39;
	[tilespmem:s19+$0xD030] =	vst v9;
	v5 =	vadd.f32 v40, v5;
	v44 =	vmul.f32 v30, v11  }
0x1a6: {  	v6 =	vadd.f32 v22, v6;
	v45 =	vmul.f32 v19, v4;
	[tilespmem:s19+$0xD020] =	vst v15;
	v13 =	vadd.f32 v41, v38  }
0x1a7: {  	v8 =	vadd.f32 v42, v8;
	[tilespmem:s19+$0xD000] =	vst v5;
	v46 =	vmul.f32 v37, v10;
	v5 =	vadd.f32 v44, v43  }
0x1a8: {  	[tilespmem:s19+$0xD010] =	vst v6;
	v47 =	vadd.f32 v45, v13  }
0x1a9: {  	[tilespmem:s19+$0xD070] =	vst v8;
	v5 =	vadd.f32 v46, v5  }
0x1aa: {  	s25 =	sadd.s32 s23, s18;
	[tilespmem:s19+$0xD060] =	vst v47  }
0x1ab: {  	s26 =	sor.u32 $0x4400, s25;
	v48 =	vld [tilespmem:s19+$0x1400];
	[tilespmem:s15+$0xD470] =	vst v5  }
0x1ac: {  	v5 =	vld [tilespmem:s26+$0x1000]  }
0x1ad: {  	s28 =	sor.u32 $0x8400, s25  }
0x1ae: {  	v49 =	vld [tilespmem:s28+$0x1000];
	_ =	sdelay $0x2  }
0x1af: {  	v8 =	vmul.f32 v48, v7;
	v5 =	vmul.f32 v5, v17;
	_ =	sdelay $0x1  }
0x1b0: {  	v6 =	vmul.f32 v49, v4;
	v5 =	vadd.f32 v5, v8;
	_ =	sdelay $0x1  }
0x1b1: {  	v5 =	vadd.f32 v6, v5;
	_ =	sdelay $0x1  }
0x1b2: {  	v50 =	vld [tilespmem:s19+$0x1410];
	[tilespmem:s19+$0xD400] =	vst v5  }
0x1b3: {  	v5 =	vld [tilespmem:s26+$0x1010];
	_ =	sdelay $0x1  }
0x1b4: {  	v51 =	vld [tilespmem:s28+$0x1010];
	_ =	sdelay $0x2  }
0x1b5: {  	v6 =	vmul.f32 v50, v7;
	v5 =	vmul.f32 v5, v17;
	_ =	sdelay $0x1  }
0x1b6: {  	v8 =	vmul.f32 v51, v4;
	v5 =	vadd.f32 v5, v6;
	_ =	sdelay $0x1  }
0x1b7: {  	v5 =	vadd.f32 v8, v5;
	_ =	sdelay $0x1  }
0x1b8: {  	[tilespmem:s19+$0xD410] =	vst v5;
	v5 =	vld [tilespmem:s19+$0x1420]  }
0x1b9: {  	v52 =	vld [tilespmem:s26+$0x1020];
	_ =	sdelay $0x1  }
0x1ba: {  	v53 =	vld [tilespmem:s28+$0x1020];
	_ =	sdelay $0x2  }
0x1bb: {  	v5 =	vmul.f32 v5, v7;
	v6 =	vmul.f32 v52, v17;
	_ =	sdelay $0x1  }
0x1bc: {  	v8 =	vmul.f32 v53, v4;
	v5 =	vadd.f32 v6, v5;
	_ =	sdelay $0x1  }
0x1bd: {  	v5 =	vadd.f32 v8, v5;
	_ =	sdelay $0x1  }
0x1be: {  	[tilespmem:s19+$0xD420] =	vst v5;
	v5 =	vld [tilespmem:s19+$0x1430]  }
0x1bf: {  	v54 =	vld [tilespmem:s26+$0x1030];
	_ =	sdelay $0x1  }
0x1c0: {  	v55 =	vld [tilespmem:s28+$0x1030];
	_ =	sdelay $0x2  }
0x1c1: {  	v5 =	vmul.f32 v5, v7;
	v6 =	vmul.f32 v54, v17;
	_ =	sdelay $0x1  }
0x1c2: {  	v8 =	vmul.f32 v55, v4;
	v5 =	vadd.f32 v6, v5;
	_ =	sdelay $0x1  }
0x1c3: {  	v5 =	vadd.f32 v8, v5;
	_ =	sdelay $0x1  }
0x1c4: {  	[tilespmem:s19+$0xD430] =	vst v5;
	v5 =	vld [tilespmem:s19+$0x1440]  }
0x1c5: {  	v56 =	vld [tilespmem:s26+$0x1040];
	_ =	sdelay $0x1  }
0x1c6: {  	v57 =	vld [tilespmem:s28+$0x1040];
	_ =	sdelay $0x2  }
0x1c7: {  	v5 =	vmul.f32 v5, v7;
	v6 =	vmul.f32 v56, v17;
	_ =	sdelay $0x1  }
0x1c8: {  	v8 =	vmul.f32 v57, v4;
	v5 =	vadd.f32 v6, v5;
	_ =	sdelay $0x1  }
0x1c9: {  	v5 =	vadd.f32 v8, v5;
	_ =	sdelay $0x1  }
0x1ca: {  	[tilespmem:s19+$0xD440] =	vst v5;
	v5 =	vld [tilespmem:s19+$0x1450]  }
0x1cb: {  	v58 =	vld [tilespmem:s26+$0x1050];
	_ =	sdelay $0x1  }
0x1cc: {  	v59 =	vld [tilespmem:s28+$0x1050];
	_ =	sdelay $0x2  }
0x1cd: {  	v5 =	vmul.f32 v5, v7;
	v6 =	vmul.f32 v58, v17;
	_ =	sdelay $0x1  }
0x1ce: {  	v8 =	vmul.f32 v59, v4;
	v5 =	vadd.f32 v6, v5;
	_ =	sdelay $0x1  }
0x1cf: {  	v5 =	vadd.f32 v8, v5;
	_ =	sdelay $0x1  }
0x1d0: {  	v60 =	vld [tilespmem:s19+$0x1460];
	[tilespmem:s19+$0xD450] =	vst v5  }
0x1d1: {  	v5 =	vld [tilespmem:s26+$0x1060];
	_ =	sdelay $0x1  }
0x1d2: {  	v61 =	vld [tilespmem:s28+$0x1060];
	_ =	sdelay $0x2  }
0x1d3: {  	v6 =	vmul.f32 v60, v7;
	v5 =	vmul.f32 v5, v17;
	_ =	sdelay $0x1  }
0x1d4: {  	v8 =	vmul.f32 v61, v4;
	v5 =	vadd.f32 v5, v6;
	_ =	sdelay $0x1  }
0x1d5: {  	v5 =	vadd.f32 v8, v5;
	_ =	sdelay $0x1  }
0x1d6: {  	v62 =	vld [tilespmem:s19+$0x1470];
	[tilespmem:s19+$0xD460] =	vst v5  }
0x1d7: {  	v5 =	vld [tilespmem:s26+$0x1070];
	_ =	sdelay $0x1  }
0x1d8: {  	v63 =	vld [tilespmem:s28+$0x1070];
	_ =	sdelay $0x2  }
0x1d9: {  	s14 =	sadd.s32 $0x1, s14;
	v6 =	vmul.f32 v62, v7;
	v5 =	vmul.f32 v5, v17  }
0x1da: {  	p0 =	sne.s32 s14, $0x4  }
.Ltmp1:
0x1db: {  	v4 =	vmul.f32 v63, v4;
	v5 =	vadd.f32 v5, v6;
	(pc) =	sbr.rel @p0 .LBB2_3-.Ltmp1, $3  }
0x1dc: {  	_ = 	snop  }
0x1dd: {  	v4 =	vadd.f32 v4, v5;
	_ =	sdelay $0x1  }
0x1de: {  	s13 =	sadd.s32 $0x1000, s13;
	[tilespmem:s19+$0xD470] =	vst v4  }
0x1df: {  	s11 =	sadd.s32 s7, s11;
	s3 =	sadd.s32 $0x1, s3  }
0x1e0: {  	s12 =	rddreg [dreg:$0x2];
	s11 =	sshll.u32 s11, $0x5;
	p0 =	sne.s32 s3, $0x8  }
.Ltmp2:
0x1e1: {  	s11 =	sadd.s32 s12, s11;
	(pc) =	sbr.rel @p0 .LBB2_2-.Ltmp2, $4  }
0x1e2: {  	[hbm4b:s11+s4] =	stream.linear.scatter [tilespmem:s8], [sflag:$0x2], $0x4000, $0x38;
	[tilespmem:$0x11000] =	vst v63  }
0x1e3: {  	_ =	swait.ge [sflag:s9], $0x4000  }
0x1e4: {  	[sflag:s9] =	ssyncset.done $0x0  }
0x1e5: {  	[sflag:s9] =	ssyncadd.s32 $0xFFFFC000  }
0x1e6: {  	s11 =	rddreg [dreg:$0x7]  }
0x1e7: {  	s3 =	rddreg [dreg:$0x6];
	s11 =	sadd.s32 $0x1, s11  }
0x1e8: {  	p0 =	sne.s32 s11, s3  }
.Ltmp3:
0x1e9: {  	_ = 	snop;
	(pc) =	sbr.rel @p0 .LBB2_1-.Ltmp3, $1  }
0x1ea: {  	_ =	sdelay $0x3  }
0x1eb: {  	_ =	sfence.sel $0x180000  }
0x1ec: {  	[bflag:$0x0] =	sbarrier.arrive $0xFFFF  }
0x1ed: {  	_ =	strace $0x90000047  }
0x1ee: {  	s0 =	stileid.u32;
	[bflag:$0x2] =	sbarrier.arrive $0xFFFF  }
0x1ef: {  	p0 =	sne.s32 s0, $0x0;
	s0 =	rddreg [dreg:$0x3]  }
0x1f0: {  	s0 =	sadd.s32 @!p0 $0x100000, s0  }
0x1f1: {  	[sflag:s0] =	ssyncadd.tile.s32 @!p0 $0x1;
	_ =	shalt  }
.Lfunc_end2:
_tile_overlayer_lowered:
.L_overlay_start_2:
0x1f2: {  	(tag) =	ssettag $0x2  }
0x1f3: {  	s0 =	rddreg [dreg:$0x0];
	s2 =	stileid.u32  }
0x1f4: {  	s1 =	rddreg [dreg:$0x1];
	p0 =	sne.s32 s2, $0x0  }
0x1f5: {  	s3 =	rddreg [dreg:$0x2];
	[bflag:$0x3] =	sbarrier.arrive $0xFFFF;
	s2 =	simm.s32 @!p0 $0x1C02  }
0x1f6: {  	[timem:s3], [sflag:s2] =	dma.local @!p0 [hbm:s0], s1  }
0x1f7: {  	s0 =	simm.s32 @!p0 $0x2  }
0x1f8: {  	_ =	swait.ge @!p0 [sflag:s0], s1  }
0x1f9: {  	s1 =	ssub.s32 @!p0 $0x0, s1;
	[sflag:s0] =	ssyncset.done @!p0 $0x0  }
0x1fa: {  	[sflag:s0] =	ssyncadd.s32 @!p0 s1  }
0x1fb: {  	[bflag:$0x3] =	sbarrier.arrive $0xFFFF  }
0x1fc: {  	_ =	shalt  }

</sc_bundles>
